<compile_context>
chip_gen: v7x
topology: tpu7x:2x2x1
jax: 0.10.2.dev20260603
libtpu: 0.0.44.dev20260713+nightly
codegen_flags: <defaults>
</compile_context>

<pallas_src>
import functools

import jax
import jax.numpy as jnp
from jax import lax
from jax.experimental import pallas as pl
from jax.experimental.pallas import tpu as pltpu
from jax.experimental.pallas import tpu_sc as plsc

N_NODES = 10000
N_TC = 6992
N_SC = N_NODES - N_TC
D = 128
G = 64
L = 16
NC = 2
NS = 16
NW = NC * NS
ROWS_PER = 96
CHUNK = 32
N_CHUNKS = ROWS_PER // CHUNK


def _sc_segment_sum(x, batch):
    mesh = plsc.VectorSubcoreMesh(core_axis_name="c", subcore_axis_name="s")

    @functools.partial(
        pl.kernel,
        mesh=mesh,
        out_type=jax.ShapeDtypeStruct((NC, G, D), jnp.float32),
        scratch_types=[
            pltpu.VMEM((ROWS_PER, D), jnp.float32),
            pltpu.VMEM((N_CHUNKS, CHUNK), jnp.int32),
            pltpu.VMEM((8, D), jnp.float32),
            pltpu.VMEM_SHARED((G, D), jnp.float32),
            pltpu.SemaphoreType.DMA,
            pltpu.SemaphoreType.DMA,
            pltpu.SemaphoreType.DMA,
            pltpu.SemaphoreType.DMA,
            pltpu.SemaphoreType.DMA,
        ],
    )
    def seg_sum(x_hbm, b_hbm, out_hbm,
                xbuf, idxbuf, zbuf, acc,
                sem_g0, sem_g1, sem_g2, sem_g3, sem_idx):
        c = lax.axis_index("c")
        s = lax.axis_index("s")
        wid = s * NC + c
        base = N_TC + wid * ROWS_PER
        gsems = [sem_g0, sem_g1, sem_g2, sem_g3]
        nch = jnp.where(wid == NW - 1, 1, N_CHUNKS)

        idx_cps = []
        gathers = []
        for j in range(N_CHUNKS):
            bj = jnp.minimum(base + j * CHUNK, N_NODES - CHUNK)
            idx_cps.append(pltpu.async_copy(
                b_hbm.at[pl.ds(bj, CHUNK)], idxbuf.at[j], sem_idx))
            gathers.append(pltpu.async_copy(
                x_hbm.at[pl.ds(bj, CHUNK)],
                xbuf.at[pl.ds(j * CHUNK, CHUNK)], gsems[j]))

        zero16 = jnp.zeros((L,), jnp.float32)

        @pl.when(s < 8)
        def _():
            for r in range(8):
                for k in range(D // L):
                    zbuf[r, pl.ds(k * L, L)] = zero16
            pltpu.sync_copy(zbuf, acc.at[pl.ds(s * 8, 8)])

        plsc.subcore_barrier()

        for cp in idx_cps:
            cp.wait()
        for j in range(N_CHUNKS):
            gathers[j].wait()

            @pl.when(j < nch)
            def _(j=j):
                pltpu.sync_copy(xbuf.at[pl.ds(j * CHUNK, CHUNK)],
                                acc.at[idxbuf.at[j]], add=True)

        plsc.subcore_barrier()

        @pl.when(s < 8)
        def _():
            pltpu.sync_copy(acc.at[pl.ds(s * 8, 8)],
                            out_hbm.at[c].at[pl.ds(s * 8, 8)])

    return seg_sum(x, batch)


def _tc_overlap(x, batch2d, u, W1, b1):
    def body(x_ref, b_ref, u_ref, w1a_ref, b1_ref, o_ref, pre_ref):
        ids = lax.slice(b_ref[...], (0, 0), (1, N_TC))
        seg = lax.broadcasted_iota(jnp.int32, (G, 1), 0)
        mask = (ids == seg).astype(jnp.float32)
        o_ref[...] = jnp.dot(mask, x_ref[...],
                             preferred_element_type=jnp.float32)
        pre_ref[...] = (jnp.dot(u_ref[...], w1a_ref[...],
                                preferred_element_type=jnp.float32)
                        + b1_ref[...])

    return pl.pallas_call(
        body,
        grid=(1,),
        out_shape=[jax.ShapeDtypeStruct((G, D), jnp.float32),
                   jax.ShapeDtypeStruct((G, 256), jnp.float32)],
        in_specs=[
            pl.BlockSpec((N_TC, D), lambda i: (0, 0)),
            pl.BlockSpec((1, N_NODES), lambda i: (0, 0)),
            pl.BlockSpec((G, 128), lambda i: (0, 0)),
            pl.BlockSpec((128, 256), lambda i: (0, 0)),
            pl.BlockSpec((1, 256), lambda i: (0, 0)),
        ],
        out_specs=[pl.BlockSpec((G, D), lambda i: (0, 0)),
                   pl.BlockSpec((G, 256), lambda i: (0, 0))],
    )(x, batch2d, u, W1, b1.reshape(1, -1))


def _tc_mlp_post(partials, pooled_tc, pre, W1, W2, b2):
    def body(p_ref, ptc_ref, pre_ref, w1b_ref, w2_ref, b2_ref, o_ref):
        pooled = p_ref[0] + p_ref[1] + ptc_ref[...]
        h = pre_ref[...] + jnp.dot(pooled, w1b_ref[...],
                                   preferred_element_type=jnp.float32)
        h = jnp.maximum(h, 0.0)
        o_ref[...] = (jnp.dot(h, w2_ref[...], preferred_element_type=jnp.float32)
                      + b2_ref[...])

    return pl.pallas_call(
        body,
        grid=(1,),
        out_shape=jax.ShapeDtypeStruct((G, 128), jnp.float32),
        in_specs=[
            pl.BlockSpec((NC, G, D), lambda i: (0, 0, 0)),
            pl.BlockSpec((G, D), lambda i: (0, 0)),
            pl.BlockSpec((G, 256), lambda i: (0, 0)),
            pl.BlockSpec((128, 256), lambda i: (1, 0)),
            pl.BlockSpec((256, 128), lambda i: (0, 0)),
            pl.BlockSpec((1, 128), lambda i: (0, 0)),
        ],
        out_specs=pl.BlockSpec((G, 128), lambda i: (0, 0)),
    )(partials, pooled_tc, pre, W1, W2, b2.reshape(1, -1))


def kernel(x, edge_index, edge_attr, u, batch, W1, b1, W2, b2):
    batch2d = batch.reshape(1, N_NODES)
    pooled_tc, pre = _tc_overlap(x, batch2d, u, W1, b1)
    partials = _sc_segment_sum(x, batch)
    return _tc_mlp_post(partials, pooled_tc, pre, W1, W2, b2)

# --- scband reference (transcript-rebuilt; emitter-appended) ---
"""Pipeline reference for scband-global-model-13984413516159 (READ-ONLY COPY).

The authoritative reference and input builder live on the scoring server;
editing this copy changes nothing except your own understanding.
"""

import jax, jax.numpy as jnp
import numpy as np

N_NODES = 10000
N_EDGES = 320000
D_FEAT = 128
D_EDGE = 16
N_GRAPHS = 64
GLOB_IN = 128
HID = 256
OUT = 128


def setup_inputs(seed: int = 0) -> dict:
    key = jax.random.key(seed)
    ks = jax.random.split(key, 9)
    x = jax.random.normal(ks[0], (N_NODES, D_FEAT), dtype=jnp.float32)
    edge_index = jax.random.randint(ks[1], (2, N_EDGES), 0, N_NODES, dtype=jnp.int32)
    edge_attr = jax.random.normal(ks[2], (N_EDGES, D_EDGE), dtype=jnp.float32)
    u = jax.random.normal(ks[3], (N_GRAPHS, GLOB_IN), dtype=jnp.float32)
    batch = jnp.sort(jax.random.randint(ks[4], (N_NODES,), 0, N_GRAPHS, dtype=jnp.int32))
    W1 = jax.random.normal(ks[5], (D_FEAT + GLOB_IN, HID), dtype=jnp.float32) * 0.02
    b1 = jnp.zeros((HID,), dtype=jnp.float32)
    W2 = jax.random.normal(ks[6], (HID, OUT), dtype=jnp.float32) * 0.02
    b2 = jnp.zeros((OUT,), dtype=jnp.float32)
    return {"x": x, "edge_index": edge_index, "edge_attr": edge_attr, "u": u,
            "batch": batch, "W1": W1, "b1": b1, "W2": W2, "b2": b2}


def reference(x, edge_index, edge_attr, u, batch, W1, b1, W2, b2):
    # global_add_pool: segment-sum node features into per-graph features
    pooled = jax.ops.segment_sum(x, batch, num_segments=N_GRAPHS)
    out = jnp.concatenate([u, pooled], axis=1)
    # dropout p=0.0 (eval) -> identity
    h = jax.nn.relu(out @ W1 + b1)
    return h @ W2 + b2

if __name__ == "__main__":
    import jax
    _d = setup_inputs()
    print(jax.jit(kernel)(*tuple(_d.values())))

</pallas_src>

<mosaic_0001>
#map = affine_map<(d0, d1) -> (0, 0)>
#map1 = affine_map<(d0, d1) -> (0)>
#map2 = affine_map<(d0, d1) -> (0, 0, 0)>
module attributes {stable_mosaic.version = 14 : i64} {
  func.func @seg_sum(%arg0: i32, %arg1: i32, %arg2: memref<10000x128xf32, #tpu.memory_space<hbm>>, %arg3: memref<10000xi32, #tpu.memory_space<hbm>>, %arg4: memref<2x64x128xf32, #tpu.memory_space<hbm>>, %arg5: memref<96x128xf32, #tpu.memory_space<vmem>>, %arg6: memref<3x32xi32, #tpu.memory_space<vmem>>, %arg7: memref<8x128xf32, #tpu.memory_space<vmem>>, %arg8: memref<64x128xf32, #tpu.memory_space<vmem_shared>>, %arg9: memref<!tpu.dma_semaphore, #tpu.memory_space<semaphore_mem>>, %arg10: memref<!tpu.dma_semaphore, #tpu.memory_space<semaphore_mem>>, %arg11: memref<!tpu.dma_semaphore, #tpu.memory_space<semaphore_mem>>, %arg12: memref<!tpu.dma_semaphore, #tpu.memory_space<semaphore_mem>>, %arg13: memref<!tpu.dma_semaphore, #tpu.memory_space<semaphore_mem>>) attributes {dimension_semantics = [#tpu.dimension_semantics<core_parallel>, #tpu.dimension_semantics<subcore_parallel>], iteration_bounds = array<i64: 2, 16>, scalar_prefetch = 0 : i64, scratch_operands = 9 : i64, tpu.core_type = #tpu.core_type<sc_vector_subcore>, window_params = [{transform_indices = #map}, {transform_indices = #map1}, {transform_indices = #map2}]} {
    %mul3A = arith.constant 2 : i32
    %mul3A_0 = arith.muli %arg1, %mul3A : i32
    %add3A = arith.addi %mul3A_0, %arg0 : i32
    %mul3A_1 = arith.constant 96 : i32
    %mul3A_2 = arith.muli %add3A, %mul3A_1 : i32
    %add3A_3 = arith.constant 6992 : i32
    %add3A_4 = arith.addi %add3A_3, %mul3A_2 : i32
    %eq3A = arith.constant 31 : i32
    %eq3A_5 = arith.cmpi eq, %add3A, %eq3A : i32
    %jit3A = arith.constant 1 : i32
    %jit3A_6 = arith.constant 3 : i32
    %select_n3A = arith.select %eq3A_5, %jit3A, %jit3A_6 : i32
    %add3A_7 = arith.constant 0 : i32
    %add3A_8 = arith.addi %add3A_4, %add3A_7 : i32
    %min3A = arith.constant 9968 : i32
    %min3A_9 = arith.minsi %add3A_8, %min3A : i32
    %dma_start3A = arith.constant 0 : i32
    %dma_start3A_10 = arith.constant 0 : i32
    %dma_start3A_11 = tpu.memref_slice %arg6[%dma_start3A, %dma_start3A_10] : memref<3x32xi32, #tpu.memory_space<vmem>> -> memref<1x32xi32, #tpu.memory_space<vmem>>
    %dma_start3A_12 = tpu.memref_squeeze %dma_start3A_11 : memref<1x32xi32, #tpu.memory_space<vmem>> -> memref<32xi32, #tpu.memory_space<vmem>>
    %dma_start3A_13 = tpu.memref_slice %arg3[%min3A_9] : memref<10000xi32, #tpu.memory_space<hbm>> -> memref<32xi32, #tpu.memory_space<hbm>>
    %dma_start3A_14 = arith.constant 0 : i32
    %dma_start3A_15 = tpu.memref_slice %arg6[%dma_start3A, %dma_start3A_14] : memref<3x32xi32, #tpu.memory_space<vmem>> -> memref<1x32xi32, #tpu.memory_space<vmem>>
    %dma_start3A_16 = tpu.memref_squeeze %dma_start3A_15 : memref<1x32xi32, #tpu.memory_space<vmem>> -> memref<32xi32, #tpu.memory_space<vmem>>
    %dma_start3A_17 = tpu.memref_slice %arg3[%min3A_9] : memref<10000xi32, #tpu.memory_space<hbm>> -> memref<32xi32, #tpu.memory_space<hbm>>
    tpu.enqueue_dma source(%dma_start3A_17 : memref<32xi32, #tpu.memory_space<hbm>>) target(%dma_start3A_16 : memref<32xi32, #tpu.memory_space<vmem>>) target_semaphore(%arg13 : memref<!tpu.dma_semaphore, #tpu.memory_space<semaphore_mem>>)
    %dma_start3A_18 = arith.constant 0 : i32
    %dma_start3A_19 = arith.constant 0 : i32
    %dma_start3A_20 = tpu.memref_slice %arg5[%dma_start3A_18, %dma_start3A_19] : memref<96x128xf32, #tpu.memory_space<vmem>> -> memref<32x128xf32, #tpu.memory_space<vmem>>
    %dma_start3A_21 = arith.constant 0 : i32
    %dma_start3A_22 = tpu.memref_slice %arg2[%min3A_9, %dma_start3A_21] : memref<10000x128xf32, #tpu.memory_space<hbm>> -> memref<32x128xf32, #tpu.memory_space<hbm>>
    %dma_start3A_23 = arith.constant 0 : i32
    %dma_start3A_24 = arith.constant 0 : i32
    %dma_start3A_25 = tpu.memref_slice %arg5[%dma_start3A_23, %dma_start3A_24] : memref<96x128xf32, #tpu.memory_space<vmem>> -> memref<32x128xf32, #tpu.memory_space<vmem>>
    %dma_start3A_26 = arith.constant 0 : i32
    %dma_start3A_27 = tpu.memref_slice %arg2[%min3A_9, %dma_start3A_26] : memref<10000x128xf32, #tpu.memory_space<hbm>> -> memref<32x128xf32, #tpu.memory_space<hbm>>
    tpu.enqueue_dma source(%dma_start3A_27 : memref<32x128xf32, #tpu.memory_space<hbm>>) target(%dma_start3A_25 : memref<32x128xf32, #tpu.memory_space<vmem>>) target_semaphore(%arg9 : memref<!tpu.dma_semaphore, #tpu.memory_space<semaphore_mem>>)
    %add3A_28 = arith.constant 32 : i32
    %add3A_29 = arith.addi %add3A_4, %add3A_28 : i32
    %min3A_30 = arith.constant 9968 : i32
    %min3A_31 = arith.minsi %add3A_29, %min3A_30 : i32
    %dma_start3A_32 = arith.constant 1 : i32
    %dma_start3A_33 = arith.constant 0 : i32
    %dma_start3A_34 = tpu.memref_slice %arg6[%dma_start3A_32, %dma_start3A_33] : memref<3x32xi32, #tpu.memory_space<vmem>> -> memref<1x32xi32, #tpu.memory_space<vmem>>
    %dma_start3A_35 = tpu.memref_squeeze %dma_start3A_34 : memref<1x32xi32, #tpu.memory_space<vmem>> -> memref<32xi32, #tpu.memory_space<vmem>>
    %dma_start3A_36 = tpu.memref_slice %arg3[%min3A_31] : memref<10000xi32, #tpu.memory_space<hbm>> -> memref<32xi32, #tpu.memory_space<hbm>>
    %dma_start3A_37 = arith.constant 0 : i32
    %dma_start3A_38 = tpu.memref_slice %arg6[%dma_start3A_32, %dma_start3A_37] : memref<3x32xi32, #tpu.memory_space<vmem>> -> memref<1x32xi32, #tpu.memory_space<vmem>>
    %dma_start3A_39 = tpu.memref_squeeze %dma_start3A_38 : memref<1x32xi32, #tpu.memory_space<vmem>> -> memref<32xi32, #tpu.memory_space<vmem>>
    %dma_start3A_40 = tpu.memref_slice %arg3[%min3A_31] : memref<10000xi32, #tpu.memory_space<hbm>> -> memref<32xi32, #tpu.memory_space<hbm>>
    tpu.enqueue_dma source(%dma_start3A_40 : memref<32xi32, #tpu.memory_space<hbm>>) target(%dma_start3A_39 : memref<32xi32, #tpu.memory_space<vmem>>) target_semaphore(%arg13 : memref<!tpu.dma_semaphore, #tpu.memory_space<semaphore_mem>>)
    %dma_start3A_41 = arith.constant 32 : i32
    %dma_start3A_42 = arith.constant 0 : i32
    %dma_start3A_43 = tpu.memref_slice %arg5[%dma_start3A_41, %dma_start3A_42] : memref<96x128xf32, #tpu.memory_space<vmem>> -> memref<32x128xf32, #tpu.memory_space<vmem>>
    %dma_start3A_44 = arith.constant 0 : i32
    %dma_start3A_45 = tpu.memref_slice %arg2[%min3A_31, %dma_start3A_44] : memref<10000x128xf32, #tpu.memory_space<hbm>> -> memref<32x128xf32, #tpu.memory_space<hbm>>
    %dma_start3A_46 = arith.constant 32 : i32
    %dma_start3A_47 = arith.constant 0 : i32
    %dma_start3A_48 = tpu.memref_slice %arg5[%dma_start3A_46, %dma_start3A_47] : memref<96x128xf32, #tpu.memory_space<vmem>> -> memref<32x128xf32, #tpu.memory_space<vmem>>
    %dma_start3A_49 = arith.constant 0 : i32
    %dma_start3A_50 = tpu.memref_slice %arg2[%min3A_31, %dma_start3A_49] : memref<10000x128xf32, #tpu.memory_space<hbm>> -> memref<32x128xf32, #tpu.memory_space<hbm>>
    tpu.enqueue_dma source(%dma_start3A_50 : memref<32x128xf32, #tpu.memory_space<hbm>>) target(%dma_start3A_48 : memref<32x128xf32, #tpu.memory_space<vmem>>) target_semaphore(%arg10 : memref<!tpu.dma_semaphore, #tpu.memory_space<semaphore_mem>>)
    %add3A_51 = arith.constant 64 : i32
    %add3A_52 = arith.addi %add3A_4, %add3A_51 : i32
    %min3A_53 = arith.constant 9968 : i32
    %min3A_54 = arith.minsi %add3A_52, %min3A_53 : i32
    %dma_start3A_55 = arith.constant 2 : i32
    %dma_start3A_56 = arith.constant 0 : i32
    %dma_start3A_57 = tpu.memref_slice %arg6[%dma_start3A_55, %dma_start3A_56] : memref<3x32xi32, #tpu.memory_space<vmem>> -> memref<1x32xi32, #tpu.memory_space<vmem>>
    %dma_start3A_58 = tpu.memref_squeeze %dma_start3A_57 : memref<1x32xi32, #tpu.memory_space<vmem>> -> memref<32xi32, #tpu.memory_space<vmem>>
    %dma_start3A_59 = tpu.memref_slice %arg3[%min3A_54] : memref<10000xi32, #tpu.memory_space<hbm>> -> memref<32xi32, #tpu.memory_space<hbm>>
    %dma_start3A_60 = arith.constant 0 : i32
    %dma_start3A_61 = tpu.memref_slice %arg6[%dma_start3A_55, %dma_start3A_60] : memref<3x32xi32, #tpu.memory_space<vmem>> -> memref<1x32xi32, #tpu.memory_space<vmem>>
    %dma_start3A_62 = tpu.memref_squeeze %dma_start3A_61 : memref<1x32xi32, #tpu.memory_space<vmem>> -> memref<32xi32, #tpu.memory_space<vmem>>
    %dma_start3A_63 = tpu.memref_slice %arg3[%min3A_54] : memref<10000xi32, #tpu.memory_space<hbm>> -> memref<32xi32, #tpu.memory_space<hbm>>
    tpu.enqueue_dma source(%dma_start3A_63 : memref<32xi32, #tpu.memory_space<hbm>>) target(%dma_start3A_62 : memref<32xi32, #tpu.memory_space<vmem>>) target_semaphore(%arg13 : memref<!tpu.dma_semaphore, #tpu.memory_space<semaphore_mem>>)
    %dma_start3A_64 = arith.constant 64 : i32
    %dma_start3A_65 = arith.constant 0 : i32
    %dma_start3A_66 = tpu.memref_slice %arg5[%dma_start3A_64, %dma_start3A_65] : memref<96x128xf32, #tpu.memory_space<vmem>> -> memref<32x128xf32, #tpu.memory_space<vmem>>
    %dma_start3A_67 = arith.constant 0 : i32
    %dma_start3A_68 = tpu.memref_slice %arg2[%min3A_54, %dma_start3A_67] : memref<10000x128xf32, #tpu.memory_space<hbm>> -> memref<32x128xf32, #tpu.memory_space<hbm>>
    %dma_start3A_69 = arith.constant 64 : i32
    %dma_start3A_70 = arith.constant 0 : i32
    %dma_start3A_71 = tpu.memref_slice %arg5[%dma_start3A_69, %dma_start3A_70] : memref<96x128xf32, #tpu.memory_space<vmem>> -> memref<32x128xf32, #tpu.memory_space<vmem>>
    %dma_start3A_72 = arith.constant 0 : i32
    %dma_start3A_73 = tpu.memref_slice %arg2[%min3A_54, %dma_start3A_72] : memref<10000x128xf32, #tpu.memory_space<hbm>> -> memref<32x128xf32, #tpu.memory_space<hbm>>
    tpu.enqueue_dma source(%dma_start3A_73 : memref<32x128xf32, #tpu.memory_space<hbm>>) target(%dma_start3A_71 : memref<32x128xf32, #tpu.memory_space<vmem>>) target_semaphore(%arg11 : memref<!tpu.dma_semaphore, #tpu.memory_space<semaphore_mem>>)
    %broadcast_in_dim3A = arith.constant 0.000000e+00 : f32
    %broadcast_in_dim3A_74 = vector.broadcast %broadcast_in_dim3A : f32 to vector<16xf32>
    %lt3A = arith.constant 8 : i32
    %lt3A_75 = arith.cmpi slt, %arg1, %lt3A : i32
    %convert_element_type3A = arith.extui %lt3A_75 : i1 to i32
    %cond3A = arith.constant 0 : i32
    %cond3A_76 = arith.cmpi ne, %convert_element_type3A, %cond3A : i32
    scf.if %cond3A_76 {
      %swap3A = arith.constant 0 : i32
      %swap3A_153 = arith.index_cast %swap3A : i32 to index
      %swap3A_154 = arith.constant 0 : index
      %swap3A_155 = tpu.vector_load %arg7[%swap3A_153, %swap3A_154] {strides = array<i32>} : memref<8x128xf32, #tpu.memory_space<vmem>>, vector<1x16xf32>,
      %swap3A_156 = vector.shape_cast %swap3A_155 : vector<1x16xf32> to vector<16xf32>
      %swap3A_157 = vector.shape_cast %broadcast_in_dim3A_74 : vector<16xf32> to vector<1x16xf32>
      tpu.vector_store %arg7[%swap3A_153, %swap3A_154], %swap3A_157 {strides = array<i32>} : memref<8x128xf32, #tpu.memory_space<vmem>>, vector<1x16xf32>,
      %swap3A_158 = arith.constant 0 : i32
      %swap3A_159 = arith.index_cast %swap3A_158 : i32 to index
      %swap3A_160 = arith.constant 16 : index
      %swap3A_161 = tpu.vector_load %arg7[%swap3A_159, %swap3A_160] {strides = array<i32>} : memref<8x128xf32, #tpu.memory_space<vmem>>, vector<1x16xf32>,
      %swap3A_162 = vector.shape_cast %swap3A_161 : vector<1x16xf32> to vector<16xf32>
      %swap3A_163 = vector.shape_cast %broadcast_in_dim3A_74 : vector<16xf32> to vector<1x16xf32>
      tpu.vector_store %arg7[%swap3A_159, %swap3A_160], %swap3A_163 {strides = array<i32>} : memref<8x128xf32, #tpu.memory_space<vmem>>, vector<1x16xf32>,
      %swap3A_164 = arith.constant 0 : i32
      %swap3A_165 = arith.index_cast %swap3A_164 : i32 to index
      %swap3A_166 = arith.constant 32 : index
      %swap3A_167 = tpu.vector_load %arg7[%swap3A_165, %swap3A_166] {strides = array<i32>} : memref<8x128xf32, #tpu.memory_space<vmem>>, vector<1x16xf32>,
      %swap3A_168 = vector.shape_cast %swap3A_167 : vector<1x16xf32> to vector<16xf32>
      %swap3A_169 = vector.shape_cast %broadcast_in_dim3A_74 : vector<16xf32> to vector<1x16xf32>
      tpu.vector_store %arg7[%swap3A_165, %swap3A_166], %swap3A_169 {strides = array<i32>} : memref<8x128xf32, #tpu.memory_space<vmem>>, vector<1x16xf32>,
      %swap3A_170 = arith.constant 0 : i32
      %swap3A_171 = arith.index_cast %swap3A_170 : i32 to index
      %swap3A_172 = arith.constant 48 : index
      %swap3A_173 = tpu.vector_load %arg7[%swap3A_171, %swap3A_172] {strides = array<i32>} : memref<8x128xf32, #tpu.memory_space<vmem>>, vector<1x16xf32>,
      %swap3A_174 = vector.shape_cast %swap3A_173 : vector<1x16xf32> to vector<16xf32>
      %swap3A_175 = vector.shape_cast %broadcast_in_dim3A_74 : vector<16xf32> to vector<1x16xf32>
      tpu.vector_store %arg7[%swap3A_171, %swap3A_172], %swap3A_175 {strides = array<i32>} : memref<8x128xf32, #tpu.memory_space<vmem>>, vector<1x16xf32>,
      %swap3A_176 = arith.constant 0 : i32
      %swap3A_177 = arith.index_cast %swap3A_176 : i32 to index
      %swap3A_178 = arith.constant 64 : index
      %swap3A_179 = tpu.vector_load %arg7[%swap3A_177, %swap3A_178] {strides = array<i32>} : memref<8x128xf32, #tpu.memory_space<vmem>>, vector<1x16xf32>,
      %swap3A_180 = vector.shape_cast %swap3A_179 : vector<1x16xf32> to vector<16xf32>
      %swap3A_181 = vector.shape_cast %broadcast_in_dim3A_74 : vector<16xf32> to vector<1x16xf32>
      tpu.vector_store %arg7[%swap3A_177, %swap3A_178], %swap3A_181 {strides = array<i32>} : memref<8x128xf32, #tpu.memory_space<vmem>>, vector<1x16xf32>,
      %swap3A_182 = arith.constant 0 : i32
      %swap3A_183 = arith.index_cast %swap3A_182 : i32 to index
      %swap3A_184 = arith.constant 80 : index
      %swap3A_185 = tpu.vector_load %arg7[%swap3A_183, %swap3A_184] {strides = array<i32>} : memref<8x128xf32, #tpu.memory_space<vmem>>, vector<1x16xf32>,
      %swap3A_186 = vector.shape_cast %swap3A_185 : vector<1x16xf32> to vector<16xf32>
      %swap3A_187 = vector.shape_cast %broadcast_in_dim3A_74 : vector<16xf32> to vector<1x16xf32>
      tpu.vector_store %arg7[%swap3A_183, %swap3A_184], %swap3A_187 {strides = array<i32>} : memref<8x128xf32, #tpu.memory_space<vmem>>, vector<1x16xf32>,
      %swap3A_188 = arith.constant 0 : i32
      %swap3A_189 = arith.index_cast %swap3A_188 : i32 to index
      %swap3A_190 = arith.constant 96 : index
      %swap3A_191 = tpu.vector_load %arg7[%swap3A_189, %swap3A_190] {strides = array<i32>} : memref<8x128xf32, #tpu.memory_space<vmem>>, vector<1x16xf32>,
      %swap3A_192 = vector.shape_cast %swap3A_191 : vector<1x16xf32> to vector<16xf32>
      %swap3A_193 = vector.shape_cast %broadcast_in_dim3A_74 : vector<16xf32> to vector<1x16xf32>
      tpu.vector_store %arg7[%swap3A_189, %swap3A_190], %swap3A_193 {strides = array<i32>} : memref<8x128xf32, #tpu.memory_space<vmem>>, vector<1x16xf32>,
      %swap3A_194 = arith.constant 0 : i32
      %swap3A_195 = arith.index_cast %swap3A_194 : i32 to index
      %swap3A_196 = arith.constant 112 : index
      %swap3A_197 = tpu.vector_load %arg7[%swap3A_195, %swap3A_196] {strides = array<i32>} : memref<8x128xf32, #tpu.memory_space<vmem>>, vector<1x16xf32>,
      %swap3A_198 = vector.shape_cast %swap3A_197 : vector<1x16xf32> to vector<16xf32>
      %swap3A_199 = vector.shape_cast %broadcast_in_dim3A_74 : vector<16xf32> to vector<1x16xf32>
      tpu.vector_store %arg7[%swap3A_195, %swap3A_196], %swap3A_199 {strides = array<i32>} : memref<8x128xf32, #tpu.memory_space<vmem>>, vector<1x16xf32>,
      %swap3A_200 = arith.constant 1 : i32
      %swap3A_201 = arith.index_cast %swap3A_200 : i32 to index
      %swap3A_202 = arith.constant 0 : index
      %swap3A_203 = tpu.vector_load %arg7[%swap3A_201, %swap3A_202] {strides = array<i32>} : memref<8x128xf32, #tpu.memory_space<vmem>>, vector<1x16xf32>,
      %swap3A_204 = vector.shape_cast %swap3A_203 : vector<1x16xf32> to vector<16xf32>
      %swap3A_205 = vector.shape_cast %broadcast_in_dim3A_74 : vector<16xf32> to vector<1x16xf32>
      tpu.vector_store %arg7[%swap3A_201, %swap3A_202], %swap3A_205 {strides = array<i32>} : memref<8x128xf32, #tpu.memory_space<vmem>>, vector<1x16xf32>,
      %swap3A_206 = arith.constant 1 : i32
      %swap3A_207 = arith.index_cast %swap3A_206 : i32 to index
      %swap3A_208 = arith.constant 16 : index
      %swap3A_209 = tpu.vector_load %arg7[%swap3A_207, %swap3A_208] {strides = array<i32>} : memref<8x128xf32, #tpu.memory_space<vmem>>, vector<1x16xf32>,
      %swap3A_210 = vector.shape_cast %swap3A_209 : vector<1x16xf32> to vector<16xf32>
      %swap3A_211 = vector.shape_cast %broadcast_in_dim3A_74 : vector<16xf32> to vector<1x16xf32>
      tpu.vector_store %arg7[%swap3A_207, %swap3A_208], %swap3A_211 {strides = array<i32>} : memref<8x128xf32, #tpu.memory_space<vmem>>, vector<1x16xf32>,
      %swap3A_212 = arith.constant 1 : i32
      %swap3A_213 = arith.index_cast %swap3A_212 : i32 to index
      %swap3A_214 = arith.constant 32 : index
      %swap3A_215 = tpu.vector_load %arg7[%swap3A_213, %swap3A_214] {strides = array<i32>} : memref<8x128xf32, #tpu.memory_space<vmem>>, vector<1x16xf32>,
      %swap3A_216 = vector.shape_cast %swap3A_215 : vector<1x16xf32> to vector<16xf32>
      %swap3A_217 = vector.shape_cast %broadcast_in_dim3A_74 : vector<16xf32> to vector<1x16xf32>
      tpu.vector_store %arg7[%swap3A_213, %swap3A_214], %swap3A_217 {strides = array<i32>} : memref<8x128xf32, #tpu.memory_space<vmem>>, vector<1x16xf32>,
      %swap3A_218 = arith.constant 1 : i32
      %swap3A_219 = arith.index_cast %swap3A_218 : i32 to index
      %swap3A_220 = arith.constant 48 : index
      %swap3A_221 = tpu.vector_load %arg7[%swap3A_219, %swap3A_220] {strides = array<i32>} : memref<8x128xf32, #tpu.memory_space<vmem>>, vector<1x16xf32>,
      %swap3A_222 = vector.shape_cast %swap3A_221 : vector<1x16xf32> to vector<16xf32>
      %swap3A_223 = vector.shape_cast %broadcast_in_dim3A_74 : vector<16xf32> to vector<1x16xf32>
      tpu.vector_store %arg7[%swap3A_219, %swap3A_220], %swap3A_223 {strides = array<i32>} : memref<8x128xf32, #tpu.memory_space<vmem>>, vector<1x16xf32>,
      %swap3A_224 = arith.constant 1 : i32
      %swap3A_225 = arith.index_cast %swap3A_224 : i32 to index
      %swap3A_226 = arith.constant 64 : index
      %swap3A_227 = tpu.vector_load %arg7[%swap3A_225, %swap3A_226] {strides = array<i32>} : memref<8x128xf32, #tpu.memory_space<vmem>>, vector<1x16xf32>,
      %swap3A_228 = vector.shape_cast %swap3A_227 : vector<1x16xf32> to vector<16xf32>
      %swap3A_229 = vector.shape_cast %broadcast_in_dim3A_74 : vector<16xf32> to vector<1x16xf32>
      tpu.vector_store %arg7[%swap3A_225, %swap3A_226], %swap3A_229 {strides = array<i32>} : memref<8x128xf32, #tpu.memory_space<vmem>>, vector<1x16xf32>,
      %swap3A_230 = arith.constant 1 : i32
      %swap3A_231 = arith.index_cast %swap3A_230 : i32 to index
      %swap3A_232 = arith.constant 80 : index
      %swap3A_233 = tpu.vector_load %arg7[%swap3A_231, %swap3A_232] {strides = array<i32>} : memref<8x128xf32, #tpu.memory_space<vmem>>, vector<1x16xf32>,
      %swap3A_234 = vector.shape_cast %swap3A_233 : vector<1x16xf32> to vector<16xf32>
      %swap3A_235 = vector.shape_cast %broadcast_in_dim3A_74 : vector<16xf32> to vector<1x16xf32>
      tpu.vector_store %arg7[%swap3A_231, %swap3A_232], %swap3A_235 {strides = array<i32>} : memref<8x128xf32, #tpu.memory_space<vmem>>, vector<1x16xf32>,
      %swap3A_236 = arith.constant 1 : i32
      %swap3A_237 = arith.index_cast %swap3A_236 : i32 to index
      %swap3A_238 = arith.constant 96 : index
      %swap3A_239 = tpu.vector_load %arg7[%swap3A_237, %swap3A_238] {strides = array<i32>} : memref<8x128xf32, #tpu.memory_space<vmem>>, vector<1x16xf32>,
      %swap3A_240 = vector.shape_cast %swap3A_239 : vector<1x16xf32> to vector<16xf32>
      %swap3A_241 = vector.shape_cast %broadcast_in_dim3A_74 : vector<16xf32> to vector<1x16xf32>
      tpu.vector_store %arg7[%swap3A_237, %swap3A_238], %swap3A_241 {strides = array<i32>} : memref<8x128xf32, #tpu.memory_space<vmem>>, vector<1x16xf32>,
      %swap3A_242 = arith.constant 1 : i32
      %swap3A_243 = arith.index_cast %swap3A_242 : i32 to index
      %swap3A_244 = arith.constant 112 : index
      %swap3A_245 = tpu.vector_load %arg7[%swap3A_243, %swap3A_244] {strides = array<i32>} : memref<8x128xf32, #tpu.memory_space<vmem>>, vector<1x16xf32>,
      %swap3A_246 = vector.shape_cast %swap3A_245 : vector<1x16xf32> to vector<16xf32>
      %swap3A_247 = vector.shape_cast %broadcast_in_dim3A_74 : vector<16xf32> to vector<1x16xf32>
      tpu.vector_store %arg7[%swap3A_243, %swap3A_244], %swap3A_247 {strides = array<i32>} : memref<8x128xf32, #tpu.memory_space<vmem>>, vector<1x16xf32>,
      %swap3A_248 = arith.constant 2 : i32
      %swap3A_249 = arith.index_cast %swap3A_248 : i32 to index
      %swap3A_250 = arith.constant 0 : index
      %swap3A_251 = tpu.vector_load %arg7[%swap3A_249, %swap3A_250] {strides = array<i32>} : memref<8x128xf32, #tpu.memory_space<vmem>>, vector<1x16xf32>,
      %swap3A_252 = vector.shape_cast %swap3A_251 : vector<1x16xf32> to vector<16xf32>
      %swap3A_253 = vector.shape_cast %broadcast_in_dim3A_74 : vector<16xf32> to vector<1x16xf32>
      tpu.vector_store %arg7[%swap3A_249, %swap3A_250], %swap3A_253 {strides = array<i32>} : memref<8x128xf32, #tpu.memory_space<vmem>>, vector<1x16xf32>,
      %swap3A_254 = arith.constant 2 : i32
      %swap3A_255 = arith.index_cast %swap3A_254 : i32 to index
      %swap3A_256 = arith.constant 16 : index
      %swap3A_257 = tpu.vector_load %arg7[%swap3A_255, %swap3A_256] {strides = array<i32>} : memref<8x128xf32, #tpu.memory_space<vmem>>, vector<1x16xf32>,
      %swap3A_258 = vector.shape_cast %swap3A_257 : vector<1x16xf32> to vector<16xf32>
      %swap3A_259 = vector.shape_cast %broadcast_in_dim3A_74 : vector<16xf32> to vector<1x16xf32>
      tpu.vector_store %arg7[%swap3A_255, %swap3A_256], %swap3A_259 {strides = array<i32>} : memref<8x128xf32, #tpu.memory_space<vmem>>, vector<1x16xf32>,
      %swap3A_260 = arith.constant 2 : i32
      %swap3A_261 = arith.index_cast %swap3A_260 : i32 to index
      %swap3A_262 = arith.constant 32 : index
      %swap3A_263 = tpu.vector_load %arg7[%swap3A_261, %swap3A_262] {strides = array<i32>} : memref<8x128xf32, #tpu.memory_space<vmem>>, vector<1x16xf32>,
      %swap3A_264 = vector.shape_cast %swap3A_263 : vector<1x16xf32> to vector<16xf32>
      %swap3A_265 = vector.shape_cast %broadcast_in_dim3A_74 : vector<16xf32> to vector<1x16xf32>
      tpu.vector_store %arg7[%swap3A_261, %swap3A_262], %swap3A_265 {strides = array<i32>} : memref<8x128xf32, #tpu.memory_space<vmem>>, vector<1x16xf32>,
      %swap3A_266 = arith.constant 2 : i32
      %swap3A_267 = arith.index_cast %swap3A_266 : i32 to index
      %swap3A_268 = arith.constant 48 : index
      %swap3A_269 = tpu.vector_load %arg7[%swap3A_267, %swap3A_268] {strides = array<i32>} : memref<8x128xf32, #tpu.memory_space<vmem>>, vector<1x16xf32>,
      %swap3A_270 = vector.shape_cast %swap3A_269 : vector<1x16xf32> to vector<16xf32>
      %swap3A_271 = vector.shape_cast %broadcast_in_dim3A_74 : vector<16xf32> to vector<1x16xf32>
      tpu.vector_store %arg7[%swap3A_267, %swap3A_268], %swap3A_271 {strides = array<i32>} : memref<8x128xf32, #tpu.memory_space<vmem>>, vector<1x16xf32>,
      %swap3A_272 = arith.constant 2 : i32
      %swap3A_273 = arith.index_cast %swap3A_272 : i32 to index
      %swap3A_274 = arith.constant 64 : index
      %swap3A_275 = tpu.vector_load %arg7[%swap3A_273, %swap3A_274] {strides = array<i32>} : memref<8x128xf32, #tpu.memory_space<vmem>>, vector<1x16xf32>,
      %swap3A_276 = vector.shape_cast %swap3A_275 : vector<1x16xf32> to vector<16xf32>
      %swap3A_277 = vector.shape_cast %broadcast_in_dim3A_74 : vector<16xf32> to vector<1x16xf32>
      tpu.vector_store %arg7[%swap3A_273, %swap3A_274], %swap3A_277 {strides = array<i32>} : memref<8x128xf32, #tpu.memory_space<vmem>>, vector<1x16xf32>,
      %swap3A_278 = arith.constant 2 : i32
      %swap3A_279 = arith.index_cast %swap3A_278 : i32 to index
      %swap3A_280 = arith.constant 80 : index
      %swap3A_281 = tpu.vector_load %arg7[%swap3A_279, %swap3A_280] {strides = array<i32>} : memref<8x128xf32, #tpu.memory_space<vmem>>, vector<1x16xf32>,
      %swap3A_282 = vector.shape_cast %swap3A_281 : vector<1x16xf32> to vector<16xf32>
      %swap3A_283 = vector.shape_cast %broadcast_in_dim3A_74 : vector<16xf32> to vector<1x16xf32>
      tpu.vector_store %arg7[%swap3A_279, %swap3A_280], %swap3A_283 {strides = array<i32>} : memref<8x128xf32, #tpu.memory_space<vmem>>, vector<1x16xf32>,
      %swap3A_284 = arith.constant 2 : i32
      %swap3A_285 = arith.index_cast %swap3A_284 : i32 to index
      %swap3A_286 = arith.constant 96 : index
      %swap3A_287 = tpu.vector_load %arg7[%swap3A_285, %swap3A_286] {strides = array<i32>} : memref<8x128xf32, #tpu.memory_space<vmem>>, vector<1x16xf32>,
      %swap3A_288 = vector.shape_cast %swap3A_287 : vector<1x16xf32> to vector<16xf32>
      %swap3A_289 = vector.shape_cast %broadcast_in_dim3A_74 : vector<16xf32> to vector<1x16xf32>
      tpu.vector_store %arg7[%swap3A_285, %swap3A_286], %swap3A_289 {strides = array<i32>} : memref<8x128xf32, #tpu.memory_space<vmem>>, vector<1x16xf32>,
      %swap3A_290 = arith.constant 2 : i32
      %swap3A_291 = arith.index_cast %swap3A_290 : i32 to index
      %swap3A_292 = arith.constant 112 : index
      %swap3A_293 = tpu.vector_load %arg7[%swap3A_291, %swap3A_292] {strides = array<i32>} : memref<8x128xf32, #tpu.memory_space<vmem>>, vector<1x16xf32>,
      %swap3A_294 = vector.shape_cast %swap3A_293 : vector<1x16xf32> to vector<16xf32>
      %swap3A_295 = vector.shape_cast %broadcast_in_dim3A_74 : vector<16xf32> to vector<1x16xf32>
      tpu.vector_store %arg7[%swap3A_291, %swap3A_292], %swap3A_295 {strides = array<i32>} : memref<8x128xf32, #tpu.memory_space<vmem>>, vector<1x16xf32>,
      %swap3A_296 = arith.constant 3 : i32
      %swap3A_297 = arith.index_cast %swap3A_296 : i32 to index
      %swap3A_298 = arith.constant 0 : index
      %swap3A_299 = tpu.vector_load %arg7[%swap3A_297, %swap3A_298] {strides = array<i32>} : memref<8x128xf32, #tpu.memory_space<vmem>>, vector<1x16xf32>,
      %swap3A_300 = vector.shape_cast %swap3A_299 : vector<1x16xf32> to vector<16xf32>
      %swap3A_301 = vector.shape_cast %broadcast_in_dim3A_74 : vector<16xf32> to vector<1x16xf32>
      tpu.vector_store %arg7[%swap3A_297, %swap3A_298], %swap3A_301 {strides = array<i32>} : memref<8x128xf32, #tpu.memory_space<vmem>>, vector<1x16xf32>,
      %swap3A_302 = arith.constant 3 : i32
      %swap3A_303 = arith.index_cast %swap3A_302 : i32 to index
      %swap3A_304 = arith.constant 16 : index
      %swap3A_305 = tpu.vector_load %arg7[%swap3A_303, %swap3A_304] {strides = array<i32>} : memref<8x128xf32, #tpu.memory_space<vmem>>, vector<1x16xf32>,
      %swap3A_306 = vector.shape_cast %swap3A_305 : vector<1x16xf32> to vector<16xf32>
      %swap3A_307 = vector.shape_cast %broadcast_in_dim3A_74 : vector<16xf32> to vector<1x16xf32>
      tpu.vector_store %arg7[%swap3A_303, %swap3A_304], %swap3A_307 {strides = array<i32>} : memref<8x128xf32, #tpu.memory_space<vmem>>, vector<1x16xf32>,
      %swap3A_308 = arith.constant 3 : i32
      %swap3A_309 = arith.index_cast %swap3A_308 : i32 to index
      %swap3A_310 = arith.constant 32 : index
      %swap3A_311 = tpu.vector_load %arg7[%swap3A_309, %swap3A_310] {strides = array<i32>} : memref<8x128xf32, #tpu.memory_space<vmem>>, vector<1x16xf32>,
      %swap3A_312 = vector.shape_cast %swap3A_311 : vector<1x16xf32> to vector<16xf32>
      %swap3A_313 = vector.shape_cast %broadcast_in_dim3A_74 : vector<16xf32> to vector<1x16xf32>
      tpu.vector_store %arg7[%swap3A_309, %swap3A_310], %swap3A_313 {strides = array<i32>} : memref<8x128xf32, #tpu.memory_space<vmem>>, vector<1x16xf32>,
      %swap3A_314 = arith.constant 3 : i32
      %swap3A_315 = arith.index_cast %swap3A_314 : i32 to index
      %swap3A_316 = arith.constant 48 : index
      %swap3A_317 = tpu.vector_load %arg7[%swap3A_315, %swap3A_316] {strides = array<i32>} : memref<8x128xf32, #tpu.memory_space<vmem>>, vector<1x16xf32>,
      %swap3A_318 = vector.shape_cast %swap3A_317 : vector<1x16xf32> to vector<16xf32>
      %swap3A_319 = vector.shape_cast %broadcast_in_dim3A_74 : vector<16xf32> to vector<1x16xf32>
      tpu.vector_store %arg7[%swap3A_315, %swap3A_316], %swap3A_319 {strides = array<i32>} : memref<8x128xf32, #tpu.memory_space<vmem>>, vector<1x16xf32>,
      %swap3A_320 = arith.constant 3 : i32
      %swap3A_321 = arith.index_cast %swap3A_320 : i32 to index
      %swap3A_322 = arith.constant 64 : index
      %swap3A_323 = tpu.vector_load %arg7[%swap3A_321, %swap3A_322] {strides = array<i32>} : memref<8x128xf32, #tpu.memory_space<vmem>>, vector<1x16xf32>,
      %swap3A_324 = vector.shape_cast %swap3A_323 : vector<1x16xf32> to vector<16xf32>
      %swap3A_325 = vector.shape_cast %broadcast_in_dim3A_74 : vector<16xf32> to vector<1x16xf32>
      tpu.vector_store %arg7[%swap3A_321, %swap3A_322], %swap3A_325 {strides = array<i32>} : memref<8x128xf32, #tpu.memory_space<vmem>>, vector<1x16xf32>,
      %swap3A_326 = arith.constant 3 : i32
      %swap3A_327 = arith.index_cast %swap3A_326 : i32 to index
      %swap3A_328 = arith.constant 80 : index
      %swap3A_329 = tpu.vector_load %arg7[%swap3A_327, %swap3A_328] {strides = array<i32>} : memref<8x128xf32, #tpu.memory_space<vmem>>, vector<1x16xf32>,
      %swap3A_330 = vector.shape_cast %swap3A_329 : vector<1x16xf32> to vector<16xf32>
      %swap3A_331 = vector.shape_cast %broadcast_in_dim3A_74 : vector<16xf32> to vector<1x16xf32>
      tpu.vector_store %arg7[%swap3A_327, %swap3A_328], %swap3A_331 {strides = array<i32>} : memref<8x128xf32, #tpu.memory_space<vmem>>, vector<1x16xf32>,
      %swap3A_332 = arith.constant 3 : i32
      %swap3A_333 = arith.index_cast %swap3A_332 : i32 to index
      %swap3A_334 = arith.constant 96 : index
      %swap3A_335 = tpu.vector_load %arg7[%swap3A_333, %swap3A_334] {strides = array<i32>} : memref<8x128xf32, #tpu.memory_space<vmem>>, vector<1x16xf32>,
      %swap3A_336 = vector.shape_cast %swap3A_335 : vector<1x16xf32> to vector<16xf32>
      %swap3A_337 = vector.shape_cast %broadcast_in_dim3A_74 : vector<16xf32> to vector<1x16xf32>
      tpu.vector_store %arg7[%swap3A_333, %swap3A_334], %swap3A_337 {strides = array<i32>} : memref<8x128xf32, #tpu.memory_space<vmem>>, vector<1x16xf32>,
      %swap3A_338 = arith.constant 3 : i32
      %swap3A_339 = arith.index_cast %swap3A_338 : i32 to index
      %swap3A_340 = arith.constant 112 : index
      %swap3A_341 = tpu.vector_load %arg7[%swap3A_339, %swap3A_340] {strides = array<i32>} : memref<8x128xf32, #tpu.memory_space<vmem>>, vector<1x16xf32>,
      %swap3A_342 = vector.shape_cast %swap3A_341 : vector<1x16xf32> to vector<16xf32>
      %swap3A_343 = vector.shape_cast %broadcast_in_dim3A_74 : vector<16xf32> to vector<1x16xf32>
      tpu.vector_store %arg7[%swap3A_339, %swap3A_340], %swap3A_343 {strides = array<i32>} : memref<8x128xf32, #tpu.memory_space<vmem>>, vector<1x16xf32>,
      %swap3A_344 = arith.constant 4 : i32
      %swap3A_345 = arith.index_cast %swap3A_344 : i32 to index
      %swap3A_346 = arith.constant 0 : index
      %swap3A_347 = tpu.vector_load %arg7[%swap3A_345, %swap3A_346] {strides = array<i32>} : memref<8x128xf32, #tpu.memory_space<vmem>>, vector<1x16xf32>,
      %swap3A_348 = vector.shape_cast %swap3A_347 : vector<1x16xf32> to vector<16xf32>
      %swap3A_349 = vector.shape_cast %broadcast_in_dim3A_74 : vector<16xf32> to vector<1x16xf32>
      tpu.vector_store %arg7[%swap3A_345, %swap3A_346], %swap3A_349 {strides = array<i32>} : memref<8x128xf32, #tpu.memory_space<vmem>>, vector<1x16xf32>,
      %swap3A_350 = arith.constant 4 : i32
      %swap3A_351 = arith.index_cast %swap3A_350 : i32 to index
      %swap3A_352 = arith.constant 16 : index
      %swap3A_353 = tpu.vector_load %arg7[%swap3A_351, %swap3A_352] {strides = array<i32>} : memref<8x128xf32, #tpu.memory_space<vmem>>, vector<1x16xf32>,
      %swap3A_354 = vector.shape_cast %swap3A_353 : vector<1x16xf32> to vector<16xf32>
      %swap3A_355 = vector.shape_cast %broadcast_in_dim3A_74 : vector<16xf32> to vector<1x16xf32>
      tpu.vector_store %arg7[%swap3A_351, %swap3A_352], %swap3A_355 {strides = array<i32>} : memref<8x128xf32, #tpu.memory_space<vmem>>, vector<1x16xf32>,
      %swap3A_356 = arith.constant 4 : i32
      %swap3A_357 = arith.index_cast %swap3A_356 : i32 to index
      %swap3A_358 = arith.constant 32 : index
      %swap3A_359 = tpu.vector_load %arg7[%swap3A_357, %swap3A_358] {strides = array<i32>} : memref<8x128xf32, #tpu.memory_space<vmem>>, vector<1x16xf32>,
      %swap3A_360 = vector.shape_cast %swap3A_359 : vector<1x16xf32> to vector<16xf32>
      %swap3A_361 = vector.shape_cast %broadcast_in_dim3A_74 : vector<16xf32> to vector<1x16xf32>
      tpu.vector_store %arg7[%swap3A_357, %swap3A_358], %swap3A_361 {strides = array<i32>} : memref<8x128xf32, #tpu.memory_space<vmem>>, vector<1x16xf32>,
      %swap3A_362 = arith.constant 4 : i32
      %swap3A_363 = arith.index_cast %swap3A_362 : i32 to index
      %swap3A_364 = arith.constant 48 : index
      %swap3A_365 = tpu.vector_load %arg7[%swap3A_363, %swap3A_364] {strides = array<i32>} : memref<8x128xf32, #tpu.memory_space<vmem>>, vector<1x16xf32>,
      %swap3A_366 = vector.shape_cast %swap3A_365 : vector<1x16xf32> to vector<16xf32>
      %swap3A_367 = vector.shape_cast %broadcast_in_dim3A_74 : vector<16xf32> to vector<1x16xf32>
      tpu.vector_store %arg7[%swap3A_363, %swap3A_364], %swap3A_367 {strides = array<i32>} : memref<8x128xf32, #tpu.memory_space<vmem>>, vector<1x16xf32>,
      %swap3A_368 = arith.constant 4 : i32
      %swap3A_369 = arith.index_cast %swap3A_368 : i32 to index
      %swap3A_370 = arith.constant 64 : index
      %swap3A_371 = tpu.vector_load %arg7[%swap3A_369, %swap3A_370] {strides = array<i32>} : memref<8x128xf32, #tpu.memory_space<vmem>>, vector<1x16xf32>,
      %swap3A_372 = vector.shape_cast %swap3A_371 : vector<1x16xf32> to vector<16xf32>
      %swap3A_373 = vector.shape_cast %broadcast_in_dim3A_74 : vector<16xf32> to vector<1x16xf32>
      tpu.vector_store %arg7[%swap3A_369, %swap3A_370], %swap3A_373 {strides = array<i32>} : memref<8x128xf32, #tpu.memory_space<vmem>>, vector<1x16xf32>,
      %swap3A_374 = arith.constant 4 : i32
      %swap3A_375 = arith.index_cast %swap3A_374 : i32 to index
      %swap3A_376 = arith.constant 80 : index
      %swap3A_377 = tpu.vector_load %arg7[%swap3A_375, %swap3A_376] {strides = array<i32>} : memref<8x128xf32, #tpu.memory_space<vmem>>, vector<1x16xf32>,
      %swap3A_378 = vector.shape_cast %swap3A_377 : vector<1x16xf32> to vector<16xf32>
      %swap3A_379 = vector.shape_cast %broadcast_in_dim3A_74 : vector<16xf32> to vector<1x16xf32>
      tpu.vector_store %arg7[%swap3A_375, %swap3A_376], %swap3A_379 {strides = array<i32>} : memref<8x128xf32, #tpu.memory_space<vmem>>, vector<1x16xf32>,
      %swap3A_380 = arith.constant 4 : i32
      %swap3A_381 = arith.index_cast %swap3A_380 : i32 to index
      %swap3A_382 = arith.constant 96 : index
      %swap3A_383 = tpu.vector_load %arg7[%swap3A_381, %swap3A_382] {strides = array<i32>} : memref<8x128xf32, #tpu.memory_space<vmem>>, vector<1x16xf32>,
      %swap3A_384 = vector.shape_cast %swap3A_383 : vector<1x16xf32> to vector<16xf32>
      %swap3A_385 = vector.shape_cast %broadcast_in_dim3A_74 : vector<16xf32> to vector<1x16xf32>
      tpu.vector_store %arg7[%swap3A_381, %swap3A_382], %swap3A_385 {strides = array<i32>} : memref<8x128xf32, #tpu.memory_space<vmem>>, vector<1x16xf32>,
      %swap3A_386 = arith.constant 4 : i32
      %swap3A_387 = arith.index_cast %swap3A_386 : i32 to index
      %swap3A_388 = arith.constant 112 : index
      %swap3A_389 = tpu.vector_load %arg7[%swap3A_387, %swap3A_388] {strides = array<i32>} : memref<8x128xf32, #tpu.memory_space<vmem>>, vector<1x16xf32>,
      %swap3A_390 = vector.shape_cast %swap3A_389 : vector<1x16xf32> to vector<16xf32>
      %swap3A_391 = vector.shape_cast %broadcast_in_dim3A_74 : vector<16xf32> to vector<1x16xf32>
      tpu.vector_store %arg7[%swap3A_387, %swap3A_388], %swap3A_391 {strides = array<i32>} : memref<8x128xf32, #tpu.memory_space<vmem>>, vector<1x16xf32>,
      %swap3A_392 = arith.constant 5 : i32
      %swap3A_393 = arith.index_cast %swap3A_392 : i32 to index
      %swap3A_394 = arith.constant 0 : index
      %swap3A_395 = tpu.vector_load %arg7[%swap3A_393, %swap3A_394] {strides = array<i32>} : memref<8x128xf32, #tpu.memory_space<vmem>>, vector<1x16xf32>,
      %swap3A_396 = vector.shape_cast %swap3A_395 : vector<1x16xf32> to vector<16xf32>
      %swap3A_397 = vector.shape_cast %broadcast_in_dim3A_74 : vector<16xf32> to vector<1x16xf32>
      tpu.vector_store %arg7[%swap3A_393, %swap3A_394], %swap3A_397 {strides = array<i32>} : memref<8x128xf32, #tpu.memory_space<vmem>>, vector<1x16xf32>,
      %swap3A_398 = arith.constant 5 : i32
      %swap3A_399 = arith.index_cast %swap3A_398 : i32 to index
      %swap3A_400 = arith.constant 16 : index
      %swap3A_401 = tpu.vector_load %arg7[%swap3A_399, %swap3A_400] {strides = array<i32>} : memref<8x128xf32, #tpu.memory_space<vmem>>, vector<1x16xf32>,
      %swap3A_402 = vector.shape_cast %swap3A_401 : vector<1x16xf32> to vector<16xf32>
      %swap3A_403 = vector.shape_cast %broadcast_in_dim3A_74 : vector<16xf32> to vector<1x16xf32>
      tpu.vector_store %arg7[%swap3A_399, %swap3A_400], %swap3A_403 {strides = array<i32>} : memref<8x128xf32, #tpu.memory_space<vmem>>, vector<1x16xf32>,
      %swap3A_404 = arith.constant 5 : i32
      %swap3A_405 = arith.index_cast %swap3A_404 : i32 to index
      %swap3A_406 = arith.constant 32 : index
      %swap3A_407 = tpu.vector_load %arg7[%swap3A_405, %swap3A_406] {strides = array<i32>} : memref<8x128xf32, #tpu.memory_space<vmem>>, vector<1x16xf32>,
      %swap3A_408 = vector.shape_cast %swap3A_407 : vector<1x16xf32> to vector<16xf32>
      %swap3A_409 = vector.shape_cast %broadcast_in_dim3A_74 : vector<16xf32> to vector<1x16xf32>
      tpu.vector_store %arg7[%swap3A_405, %swap3A_406], %swap3A_409 {strides = array<i32>} : memref<8x128xf32, #tpu.memory_space<vmem>>, vector<1x16xf32>,
      %swap3A_410 = arith.constant 5 : i32
      %swap3A_411 = arith.index_cast %swap3A_410 : i32 to index
      %swap3A_412 = arith.constant 48 : index
      %swap3A_413 = tpu.vector_load %arg7[%swap3A_411, %swap3A_412] {strides = array<i32>} : memref<8x128xf32, #tpu.memory_space<vmem>>, vector<1x16xf32>,
      %swap3A_414 = vector.shape_cast %swap3A_413 : vector<1x16xf32> to vector<16xf32>
      %swap3A_415 = vector.shape_cast %broadcast_in_dim3A_74 : vector<16xf32> to vector<1x16xf32>
      tpu.vector_store %arg7[%swap3A_411, %swap3A_412], %swap3A_415 {strides = array<i32>} : memref<8x128xf32, #tpu.memory_space<vmem>>, vector<1x16xf32>,
      %swap3A_416 = arith.constant 5 : i32
      %swap3A_417 = arith.index_cast %swap3A_416 : i32 to index
      %swap3A_418 = arith.constant 64 : index
      %swap3A_419 = tpu.vector_load %arg7[%swap3A_417, %swap3A_418] {strides = array<i32>} : memref<8x128xf32, #tpu.memory_space<vmem>>, vector<1x16xf32>,
      %swap3A_420 = vector.shape_cast %swap3A_419 : vector<1x16xf32> to vector<16xf32>
      %swap3A_421 = vector.shape_cast %broadcast_in_dim3A_74 : vector<16xf32> to vector<1x16xf32>
      tpu.vector_store %arg7[%swap3A_417, %swap3A_418], %swap3A_421 {strides = array<i32>} : memref<8x128xf32, #tpu.memory_space<vmem>>, vector<1x16xf32>,
      %swap3A_422 = arith.constant 5 : i32
      %swap3A_423 = arith.index_cast %swap3A_422 : i32 to index
      %swap3A_424 = arith.constant 80 : index
      %swap3A_425 = tpu.vector_load %arg7[%swap3A_423, %swap3A_424] {strides = array<i32>} : memref<8x128xf32, #tpu.memory_space<vmem>>, vector<1x16xf32>,
      %swap3A_426 = vector.shape_cast %swap3A_425 : vector<1x16xf32> to vector<16xf32>
      %swap3A_427 = vector.shape_cast %broadcast_in_dim3A_74 : vector<16xf32> to vector<1x16xf32>
      tpu.vector_store %arg7[%swap3A_423, %swap3A_424], %swap3A_427 {strides = array<i32>} : memref<8x128xf32, #tpu.memory_space<vmem>>, vector<1x16xf32>,
      %swap3A_428 = arith.constant 5 : i32
      %swap3A_429 = arith.index_cast %swap3A_428 : i32 to index
      %swap3A_430 = arith.constant 96 : index
      %swap3A_431 = tpu.vector_load %arg7[%swap3A_429, %swap3A_430] {strides = array<i32>} : memref<8x128xf32, #tpu.memory_space<vmem>>, vector<1x16xf32>,
      %swap3A_432 = vector.shape_cast %swap3A_431 : vector<1x16xf32> to vector<16xf32>
      %swap3A_433 = vector.shape_cast %broadcast_in_dim3A_74 : vector<16xf32> to vector<1x16xf32>
      tpu.vector_store %arg7[%swap3A_429, %swap3A_430], %swap3A_433 {strides = array<i32>} : memref<8x128xf32, #tpu.memory_space<vmem>>, vector<1x16xf32>,
      %swap3A_434 = arith.constant 5 : i32
      %swap3A_435 = arith.index_cast %swap3A_434 : i32 to index
      %swap3A_436 = arith.constant 112 : index
      %swap3A_437 = tpu.vector_load %arg7[%swap3A_435, %swap3A_436] {strides = array<i32>} : memref<8x128xf32, #tpu.memory_space<vmem>>, vector<1x16xf32>,
      %swap3A_438 = vector.shape_cast %swap3A_437 : vector<1x16xf32> to vector<16xf32>
      %swap3A_439 = vector.shape_cast %broadcast_in_dim3A_74 : vector<16xf32> to vector<1x16xf32>
      tpu.vector_store %arg7[%swap3A_435, %swap3A_436], %swap3A_439 {strides = array<i32>} : memref<8x128xf32, #tpu.memory_space<vmem>>, vector<1x16xf32>,
      %swap3A_440 = arith.constant 6 : i32
      %swap3A_441 = arith.index_cast %swap3A_440 : i32 to index
      %swap3A_442 = arith.constant 0 : index
      %swap3A_443 = tpu.vector_load %arg7[%swap3A_441, %swap3A_442] {strides = array<i32>} : memref<8x128xf32, #tpu.memory_space<vmem>>, vector<1x16xf32>,
      %swap3A_444 = vector.shape_cast %swap3A_443 : vector<1x16xf32> to vector<16xf32>
      %swap3A_445 = vector.shape_cast %broadcast_in_dim3A_74 : vector<16xf32> to vector<1x16xf32>
      tpu.vector_store %arg7[%swap3A_441, %swap3A_442], %swap3A_445 {strides = array<i32>} : memref<8x128xf32, #tpu.memory_space<vmem>>, vector<1x16xf32>,
      %swap3A_446 = arith.constant 6 : i32
      %swap3A_447 = arith.index_cast %swap3A_446 : i32 to index
      %swap3A_448 = arith.constant 16 : index
      %swap3A_449 = tpu.vector_load %arg7[%swap3A_447, %swap3A_448] {strides = array<i32>} : memref<8x128xf32, #tpu.memory_space<vmem>>, vector<1x16xf32>,
      %swap3A_450 = vector.shape_cast %swap3A_449 : vector<1x16xf32> to vector<16xf32>
      %swap3A_451 = vector.shape_cast %broadcast_in_dim3A_74 : vector<16xf32> to vector<1x16xf32>
      tpu.vector_store %arg7[%swap3A_447, %swap3A_448], %swap3A_451 {strides = array<i32>} : memref<8x128xf32, #tpu.memory_space<vmem>>, vector<1x16xf32>,
      %swap3A_452 = arith.constant 6 : i32
      %swap3A_453 = arith.index_cast %swap3A_452 : i32 to index
      %swap3A_454 = arith.constant 32 : index
      %swap3A_455 = tpu.vector_load %arg7[%swap3A_453, %swap3A_454] {strides = array<i32>} : memref<8x128xf32, #tpu.memory_space<vmem>>, vector<1x16xf32>,
      %swap3A_456 = vector.shape_cast %swap3A_455 : vector<1x16xf32> to vector<16xf32>
      %swap3A_457 = vector.shape_cast %broadcast_in_dim3A_74 : vector<16xf32> to vector<1x16xf32>
      tpu.vector_store %arg7[%swap3A_453, %swap3A_454], %swap3A_457 {strides = array<i32>} : memref<8x128xf32, #tpu.memory_space<vmem>>, vector<1x16xf32>,
      %swap3A_458 = arith.constant 6 : i32
      %swap3A_459 = arith.index_cast %swap3A_458 : i32 to index
      %swap3A_460 = arith.constant 48 : index
      %swap3A_461 = tpu.vector_load %arg7[%swap3A_459, %swap3A_460] {strides = array<i32>} : memref<8x128xf32, #tpu.memory_space<vmem>>, vector<1x16xf32>,
      %swap3A_462 = vector.shape_cast %swap3A_461 : vector<1x16xf32> to vector<16xf32>
      %swap3A_463 = vector.shape_cast %broadcast_in_dim3A_74 : vector<16xf32> to vector<1x16xf32>
      tpu.vector_store %arg7[%swap3A_459, %swap3A_460], %swap3A_463 {strides = array<i32>} : memref<8x128xf32, #tpu.memory_space<vmem>>, vector<1x16xf32>,
      %swap3A_464 = arith.constant 6 : i32
      %swap3A_465 = arith.index_cast %swap3A_464 : i32 to index
      %swap3A_466 = arith.constant 64 : index
      %swap3A_467 = tpu.vector_load %arg7[%swap3A_465, %swap3A_466] {strides = array<i32>} : memref<8x128xf32, #tpu.memory_space<vmem>>, vector<1x16xf32>,
      %swap3A_468 = vector.shape_cast %swap3A_467 : vector<1x16xf32> to vector<16xf32>
      %swap3A_469 = vector.shape_cast %broadcast_in_dim3A_74 : vector<16xf32> to vector<1x16xf32>
      tpu.vector_store %arg7[%swap3A_465, %swap3A_466], %swap3A_469 {strides = array<i32>} : memref<8x128xf32, #tpu.memory_space<vmem>>, vector<1x16xf32>,
      %swap3A_470 = arith.constant 6 : i32
      %swap3A_471 = arith.index_cast %swap3A_470 : i32 to index
      %swap3A_472 = arith.constant 80 : index
      %swap3A_473 = tpu.vector_load %arg7[%swap3A_471, %swap3A_472] {strides = array<i32>} : memref<8x128xf32, #tpu.memory_space<vmem>>, vector<1x16xf32>,
      %swap3A_474 = vector.shape_cast %swap3A_473 : vector<1x16xf32> to vector<16xf32>
      %swap3A_475 = vector.shape_cast %broadcast_in_dim3A_74 : vector<16xf32> to vector<1x16xf32>
      tpu.vector_store %arg7[%swap3A_471, %swap3A_472], %swap3A_475 {strides = array<i32>} : memref<8x128xf32, #tpu.memory_space<vmem>>, vector<1x16xf32>,
      %swap3A_476 = arith.constant 6 : i32
      %swap3A_477 = arith.index_cast %swap3A_476 : i32 to index
      %swap3A_478 = arith.constant 96 : index
      %swap3A_479 = tpu.vector_load %arg7[%swap3A_477, %swap3A_478] {strides = array<i32>} : memref<8x128xf32, #tpu.memory_space<vmem>>, vector<1x16xf32>,
      %swap3A_480 = vector.shape_cast %swap3A_479 : vector<1x16xf32> to vector<16xf32>
      %swap3A_481 = vector.shape_cast %broadcast_in_dim3A_74 : vector<16xf32> to vector<1x16xf32>
      tpu.vector_store %arg7[%swap3A_477, %swap3A_478], %swap3A_481 {strides = array<i32>} : memref<8x128xf32, #tpu.memory_space<vmem>>, vector<1x16xf32>,
      %swap3A_482 = arith.constant 6 : i32
      %swap3A_483 = arith.index_cast %swap3A_482 : i32 to index
      %swap3A_484 = arith.constant 112 : index
      %swap3A_485 = tpu.vector_load %arg7[%swap3A_483, %swap3A_484] {strides = array<i32>} : memref<8x128xf32, #tpu.memory_space<vmem>>, vector<1x16xf32>,
      %swap3A_486 = vector.shape_cast %swap3A_485 : vector<1x16xf32> to vector<16xf32>
      %swap3A_487 = vector.shape_cast %broadcast_in_dim3A_74 : vector<16xf32> to vector<1x16xf32>
      tpu.vector_store %arg7[%swap3A_483, %swap3A_484], %swap3A_487 {strides = array<i32>} : memref<8x128xf32, #tpu.memory_space<vmem>>, vector<1x16xf32>,
      %swap3A_488 = arith.constant 7 : i32
      %swap3A_489 = arith.index_cast %swap3A_488 : i32 to index
      %swap3A_490 = arith.constant 0 : index
      %swap3A_491 = tpu.vector_load %arg7[%swap3A_489, %swap3A_490] {strides = array<i32>} : memref<8x128xf32, #tpu.memory_space<vmem>>, vector<1x16xf32>,
      %swap3A_492 = vector.shape_cast %swap3A_491 : vector<1x16xf32> to vector<16xf32>
      %swap3A_493 = vector.shape_cast %broadcast_in_dim3A_74 : vector<16xf32> to vector<1x16xf32>
      tpu.vector_store %arg7[%swap3A_489, %swap3A_490], %swap3A_493 {strides = array<i32>} : memref<8x128xf32, #tpu.memory_space<vmem>>, vector<1x16xf32>,
      %swap3A_494 = arith.constant 7 : i32
      %swap3A_495 = arith.index_cast %swap3A_494 : i32 to index
      %swap3A_496 = arith.constant 16 : index
      %swap3A_497 = tpu.vector_load %arg7[%swap3A_495, %swap3A_496] {strides = array<i32>} : memref<8x128xf32, #tpu.memory_space<vmem>>, vector<1x16xf32>,
      %swap3A_498 = vector.shape_cast %swap3A_497 : vector<1x16xf32> to vector<16xf32>
      %swap3A_499 = vector.shape_cast %broadcast_in_dim3A_74 : vector<16xf32> to vector<1x16xf32>
      tpu.vector_store %arg7[%swap3A_495, %swap3A_496], %swap3A_499 {strides = array<i32>} : memref<8x128xf32, #tpu.memory_space<vmem>>, vector<1x16xf32>,
      %swap3A_500 = arith.constant 7 : i32
      %swap3A_501 = arith.index_cast %swap3A_500 : i32 to index
      %swap3A_502 = arith.constant 32 : index
      %swap3A_503 = tpu.vector_load %arg7[%swap3A_501, %swap3A_502] {strides = array<i32>} : memref<8x128xf32, #tpu.memory_space<vmem>>, vector<1x16xf32>,
      %swap3A_504 = vector.shape_cast %swap3A_503 : vector<1x16xf32> to vector<16xf32>
      %swap3A_505 = vector.shape_cast %broadcast_in_dim3A_74 : vector<16xf32> to vector<1x16xf32>
      tpu.vector_store %arg7[%swap3A_501, %swap3A_502], %swap3A_505 {strides = array<i32>} : memref<8x128xf32, #tpu.memory_space<vmem>>, vector<1x16xf32>,
      %swap3A_506 = arith.constant 7 : i32
      %swap3A_507 = arith.index_cast %swap3A_506 : i32 to index
      %swap3A_508 = arith.constant 48 : index
      %swap3A_509 = tpu.vector_load %arg7[%swap3A_507, %swap3A_508] {strides = array<i32>} : memref<8x128xf32, #tpu.memory_space<vmem>>, vector<1x16xf32>,
      %swap3A_510 = vector.shape_cast %swap3A_509 : vector<1x16xf32> to vector<16xf32>
      %swap3A_511 = vector.shape_cast %broadcast_in_dim3A_74 : vector<16xf32> to vector<1x16xf32>
      tpu.vector_store %arg7[%swap3A_507, %swap3A_508], %swap3A_511 {strides = array<i32>} : memref<8x128xf32, #tpu.memory_space<vmem>>, vector<1x16xf32>,
      %swap3A_512 = arith.constant 7 : i32
      %swap3A_513 = arith.index_cast %swap3A_512 : i32 to index
      %swap3A_514 = arith.constant 64 : index
      %swap3A_515 = tpu.vector_load %arg7[%swap3A_513, %swap3A_514] {strides = array<i32>} : memref<8x128xf32, #tpu.memory_space<vmem>>, vector<1x16xf32>,
      %swap3A_516 = vector.shape_cast %swap3A_515 : vector<1x16xf32> to vector<16xf32>
      %swap3A_517 = vector.shape_cast %broadcast_in_dim3A_74 : vector<16xf32> to vector<1x16xf32>
      tpu.vector_store %arg7[%swap3A_513, %swap3A_514], %swap3A_517 {strides = array<i32>} : memref<8x128xf32, #tpu.memory_space<vmem>>, vector<1x16xf32>,
      %swap3A_518 = arith.constant 7 : i32
      %swap3A_519 = arith.index_cast %swap3A_518 : i32 to index
      %swap3A_520 = arith.constant 80 : index
      %swap3A_521 = tpu.vector_load %arg7[%swap3A_519, %swap3A_520] {strides = array<i32>} : memref<8x128xf32, #tpu.memory_space<vmem>>, vector<1x16xf32>,
      %swap3A_522 = vector.shape_cast %swap3A_521 : vector<1x16xf32> to vector<16xf32>
      %swap3A_523 = vector.shape_cast %broadcast_in_dim3A_74 : vector<16xf32> to vector<1x16xf32>
      tpu.vector_store %arg7[%swap3A_519, %swap3A_520], %swap3A_523 {strides = array<i32>} : memref<8x128xf32, #tpu.memory_space<vmem>>, vector<1x16xf32>,
      %swap3A_524 = arith.constant 7 : i32
      %swap3A_525 = arith.index_cast %swap3A_524 : i32 to index
      %swap3A_526 = arith.constant 96 : index
      %swap3A_527 = tpu.vector_load %arg7[%swap3A_525, %swap3A_526] {strides = array<i32>} : memref<8x128xf32, #tpu.memory_space<vmem>>, vector<1x16xf32>,
      %swap3A_528 = vector.shape_cast %swap3A_527 : vector<1x16xf32> to vector<16xf32>
      %swap3A_529 = vector.shape_cast %broadcast_in_dim3A_74 : vector<16xf32> to vector<1x16xf32>
      tpu.vector_store %arg7[%swap3A_525, %swap3A_526], %swap3A_529 {strides = array<i32>} : memref<8x128xf32, #tpu.memory_space<vmem>>, vector<1x16xf32>,
      %swap3A_530 = arith.constant 7 : i32
      %swap3A_531 = arith.index_cast %swap3A_530 : i32 to index
      %swap3A_532 = arith.constant 112 : index
      %swap3A_533 = tpu.vector_load %arg7[%swap3A_531, %swap3A_532] {strides = array<i32>} : memref<8x128xf32, #tpu.memory_space<vmem>>, vector<1x16xf32>,
      %swap3A_534 = vector.shape_cast %swap3A_533 : vector<1x16xf32> to vector<16xf32>
      %swap3A_535 = vector.shape_cast %broadcast_in_dim3A_74 : vector<16xf32> to vector<1x16xf32>
      tpu.vector_store %arg7[%swap3A_531, %swap3A_532], %swap3A_535 {strides = array<i32>} : memref<8x128xf32, #tpu.memory_space<vmem>>, vector<1x16xf32>,
      %mul3A_536 = arith.constant 8 : i32
      %mul3A_537 = arith.muli %arg1, %mul3A_536 : i32
      "tpu.region"() ({
        %run_scoped3A = tpu.sem_alloc : memref<!tpu.dma_semaphore, #tpu.memory_space<semaphore_mem>>
        %dma_start3A_538 = arith.constant 0 : i32
        %dma_start3A_539 = tpu.memref_slice %arg8[%mul3A_537, %dma_start3A_538] : memref<64x128xf32, #tpu.memory_space<vmem_shared>> -> memref<8x128xf32, #tpu.memory_space<vmem_shared>>
        %dma_start3A_540 = arith.constant 0 : i32
        %dma_start3A_541 = tpu.memref_slice %arg8[%mul3A_537, %dma_start3A_540] : memref<64x128xf32, #tpu.memory_space<vmem_shared>> -> memref<8x128xf32, #tpu.memory_space<vmem_shared>>
        tpu.enqueue_dma source(%arg7 : memref<8x128xf32, #tpu.memory_space<vmem>>) target(%dma_start3A_541 : memref<8x128xf32, #tpu.memory_space<vmem_shared>>) target_semaphore(%run_scoped3A : memref<!tpu.dma_semaphore, #tpu.memory_space<semaphore_mem>>)
        %dma_wait3A_542 = arith.constant 0 : i32
        %dma_wait3A_543 = tpu.memref_slice %arg8[%mul3A_537, %dma_wait3A_542] : memref<64x128xf32, #tpu.memory_space<vmem_shared>> -> memref<8x128xf32, #tpu.memory_space<vmem_shared>>
        %dma_wait3A_544 = arith.constant 0 : i32
        %dma_wait3A_545 = tpu.memref_slice %arg8[%mul3A_537, %dma_wait3A_544] : memref<64x128xf32, #tpu.memory_space<vmem_shared>> -> memref<8x128xf32, #tpu.memory_space<vmem_shared>>
        tpu.wait_dma2 semaphore(%run_scoped3A : memref<!tpu.dma_semaphore, #tpu.memory_space<semaphore_mem>>) src(%arg7 : memref<8x128xf32, #tpu.memory_space<vmem>>) dst(%dma_wait3A_545 : memref<8x128xf32, #tpu.memory_space<vmem_shared>>)
        tpu.yield
      }) : () -> ()
    } else {
    }
    %barrier3A = arith.constant 0 : index
    tpu.barrier barrier_id(%barrier3A)
    %dma_wait3A = arith.constant 0 : i32
    %dma_wait3A_77 = arith.constant 0 : i32
    %dma_wait3A_78 = tpu.memref_slice %arg6[%dma_wait3A, %dma_wait3A_77] : memref<3x32xi32, #tpu.memory_space<vmem>> -> memref<1x32xi32, #tpu.memory_space<vmem>>
    %dma_wait3A_79 = tpu.memref_squeeze %dma_wait3A_78 : memref<1x32xi32, #tpu.memory_space<vmem>> -> memref<32xi32, #tpu.memory_space<vmem>>
    %dma_wait3A_80 = tpu.memref_slice %arg3[%min3A_9] : memref<10000xi32, #tpu.memory_space<hbm>> -> memref<32xi32, #tpu.memory_space<hbm>>
    %dma_wait3A_81 = arith.constant 0 : i32
    %dma_wait3A_82 = tpu.memref_slice %arg6[%dma_wait3A, %dma_wait3A_81] : memref<3x32xi32, #tpu.memory_space<vmem>> -> memref<1x32xi32, #tpu.memory_space<vmem>>
    %dma_wait3A_83 = tpu.memref_squeeze %dma_wait3A_82 : memref<1x32xi32, #tpu.memory_space<vmem>> -> memref<32xi32, #tpu.memory_space<vmem>>
    %dma_wait3A_84 = tpu.memref_slice %arg3[%min3A_9] : memref<10000xi32, #tpu.memory_space<hbm>> -> memref<32xi32, #tpu.memory_space<hbm>>
    tpu.wait_dma2 semaphore(%arg13 : memref<!tpu.dma_semaphore, #tpu.memory_space<semaphore_mem>>) src(%dma_wait3A_84 : memref<32xi32, #tpu.memory_space<hbm>>) dst(%dma_wait3A_83 : memref<32xi32, #tpu.memory_space<vmem>>)
    %dma_wait3A_85 = arith.constant 1 : i32
    %dma_wait3A_86 = arith.constant 0 : i32
    %dma_wait3A_87 = tpu.memref_slice %arg6[%dma_wait3A_85, %dma_wait3A_86] : memref<3x32xi32, #tpu.memory_space<vmem>> -> memref<1x32xi32, #tpu.memory_space<vmem>>
    %dma_wait3A_88 = tpu.memref_squeeze %dma_wait3A_87 : memref<1x32xi32, #tpu.memory_space<vmem>> -> memref<32xi32, #tpu.memory_space<vmem>>
    %dma_wait3A_89 = tpu.memref_slice %arg3[%min3A_31] : memref<10000xi32, #tpu.memory_space<hbm>> -> memref<32xi32, #tpu.memory_space<hbm>>
    %dma_wait3A_90 = arith.constant 0 : i32
    %dma_wait3A_91 = tpu.memref_slice %arg6[%dma_wait3A_85, %dma_wait3A_90] : memref<3x32xi32, #tpu.memory_space<vmem>> -> memref<1x32xi32, #tpu.memory_space<vmem>>
    %dma_wait3A_92 = tpu.memref_squeeze %dma_wait3A_91 : memref<1x32xi32, #tpu.memory_space<vmem>> -> memref<32xi32, #tpu.memory_space<vmem>>
    %dma_wait3A_93 = tpu.memref_slice %arg3[%min3A_31] : memref<10000xi32, #tpu.memory_space<hbm>> -> memref<32xi32, #tpu.memory_space<hbm>>
    tpu.wait_dma2 semaphore(%arg13 : memref<!tpu.dma_semaphore, #tpu.memory_space<semaphore_mem>>) src(%dma_wait3A_93 : memref<32xi32, #tpu.memory_space<hbm>>) dst(%dma_wait3A_92 : memref<32xi32, #tpu.memory_space<vmem>>)
    %dma_wait3A_94 = arith.constant 2 : i32
    %dma_wait3A_95 = arith.constant 0 : i32
    %dma_wait3A_96 = tpu.memref_slice %arg6[%dma_wait3A_94, %dma_wait3A_95] : memref<3x32xi32, #tpu.memory_space<vmem>> -> memref<1x32xi32, #tpu.memory_space<vmem>>
    %dma_wait3A_97 = tpu.memref_squeeze %dma_wait3A_96 : memref<1x32xi32, #tpu.memory_space<vmem>> -> memref<32xi32, #tpu.memory_space<vmem>>
    %dma_wait3A_98 = tpu.memref_slice %arg3[%min3A_54] : memref<10000xi32, #tpu.memory_space<hbm>> -> memref<32xi32, #tpu.memory_space<hbm>>
    %dma_wait3A_99 = arith.constant 0 : i32
    %dma_wait3A_100 = tpu.memref_slice %arg6[%dma_wait3A_94, %dma_wait3A_99] : memref<3x32xi32, #tpu.memory_space<vmem>> -> memref<1x32xi32, #tpu.memory_space<vmem>>
    %dma_wait3A_101 = tpu.memref_squeeze %dma_wait3A_100 : memref<1x32xi32, #tpu.memory_space<vmem>> -> memref<32xi32, #tpu.memory_space<vmem>>
    %dma_wait3A_102 = tpu.memref_slice %arg3[%min3A_54] : memref<10000xi32, #tpu.memory_space<hbm>> -> memref<32xi32, #tpu.memory_space<hbm>>
    tpu.wait_dma2 semaphore(%arg13 : memref<!tpu.dma_semaphore, #tpu.memory_space<semaphore_mem>>) src(%dma_wait3A_102 : memref<32xi32, #tpu.memory_space<hbm>>) dst(%dma_wait3A_101 : memref<32xi32, #tpu.memory_space<vmem>>)
    %dma_wait3A_103 = arith.constant 0 : i32
    %dma_wait3A_104 = arith.constant 0 : i32
    %dma_wait3A_105 = tpu.memref_slice %arg5[%dma_wait3A_103, %dma_wait3A_104] : memref<96x128xf32, #tpu.memory_space<vmem>> -> memref<32x128xf32, #tpu.memory_space<vmem>>
    %dma_wait3A_106 = arith.constant 0 : i32
    %dma_wait3A_107 = tpu.memref_slice %arg2[%min3A_9, %dma_wait3A_106] : memref<10000x128xf32, #tpu.memory_space<hbm>> -> memref<32x128xf32, #tpu.memory_space<hbm>>
    %dma_wait3A_108 = arith.constant 0 : i32
    %dma_wait3A_109 = arith.constant 0 : i32
    %dma_wait3A_110 = tpu.memref_slice %arg5[%dma_wait3A_108, %dma_wait3A_109] : memref<96x128xf32, #tpu.memory_space<vmem>> -> memref<32x128xf32, #tpu.memory_space<vmem>>
    %dma_wait3A_111 = arith.constant 0 : i32
    %dma_wait3A_112 = tpu.memref_slice %arg2[%min3A_9, %dma_wait3A_111] : memref<10000x128xf32, #tpu.memory_space<hbm>> -> memref<32x128xf32, #tpu.memory_space<hbm>>
    tpu.wait_dma2 semaphore(%arg9 : memref<!tpu.dma_semaphore, #tpu.memory_space<semaphore_mem>>) src(%dma_wait3A_112 : memref<32x128xf32, #tpu.memory_space<hbm>>) dst(%dma_wait3A_110 : memref<32x128xf32, #tpu.memory_space<vmem>>)
    %gt3A = arith.constant 0 : i32
    %gt3A_113 = arith.cmpi sgt, %select_n3A, %gt3A : i32
    %convert_element_type3A_114 = arith.extui %gt3A_113 : i1 to i32
    %cond3A_115 = arith.constant 0 : i32
    %cond3A_116 = arith.cmpi ne, %convert_element_type3A_114, %cond3A_115 : i32
    scf.if %cond3A_116 {
      %run_scoped3A = arith.constant 0 : i32
      "tpu.region"() ({
        %run_scoped3A_153 = tpu.sem_alloc : memref<!tpu.dma_semaphore, #tpu.memory_space<semaphore_mem>>
        %dma_start3A_154 = arith.constant 0 : i32
        %dma_start3A_155 = arith.constant 0 : i32
        %dma_start3A_156 = tpu.memref_slice %arg5[%dma_start3A_154, %dma_start3A_155] : memref<96x128xf32, #tpu.memory_space<vmem>> -> memref<32x128xf32, #tpu.memory_space<vmem>>
        %dma_start3A_157 = arith.constant 0 : i32
        %dma_start3A_158 = tpu.memref_slice %arg6[%run_scoped3A, %dma_start3A_157] : memref<3x32xi32, #tpu.memory_space<vmem>> -> memref<1x32xi32, #tpu.memory_space<vmem>>
        %dma_start3A_159 = tpu.memref_squeeze %dma_start3A_158 : memref<1x32xi32, #tpu.memory_space<vmem>> -> memref<32xi32, #tpu.memory_space<vmem>>
        %dma_start3A_160 = arith.constant 0 : i32
        %dma_start3A_161 = arith.constant 0 : i32
        %dma_start3A_162 = tpu.memref_slice %arg8[%dma_start3A_160, %dma_start3A_161] : memref<64x128xf32, #tpu.memory_space<vmem_shared>> -> memref<64x128xf32, #tpu.memory_space<vmem_shared>>
        tpu.enqueue_indirect_dma source(%dma_start3A_156 : memref<32x128xf32, #tpu.memory_space<vmem>>) target(%dma_start3A_162 : memref<64x128xf32, #tpu.memory_space<vmem_shared>>) offsets(%dma_start3A_159 : memref<32xi32, #tpu.memory_space<vmem>>) semaphore(%run_scoped3A_153 : memref<!tpu.dma_semaphore, #tpu.memory_space<semaphore_mem>>) {add = true}
        %dma_wait3A_163 = arith.constant 0 : i32
        %dma_wait3A_164 = arith.constant 0 : i32
        %dma_wait3A_165 = tpu.memref_slice %arg5[%dma_wait3A_163, %dma_wait3A_164] : memref<96x128xf32, #tpu.memory_space<vmem>> -> memref<32x128xf32, #tpu.memory_space<vmem>>
        %dma_wait3A_166 = arith.constant 0 : i32
        %dma_wait3A_167 = tpu.memref_slice %arg6[%run_scoped3A, %dma_wait3A_166] : memref<3x32xi32, #tpu.memory_space<vmem>> -> memref<1x32xi32, #tpu.memory_space<vmem>>
        %dma_wait3A_168 = tpu.memref_squeeze %dma_wait3A_167 : memref<1x32xi32, #tpu.memory_space<vmem>> -> memref<32xi32, #tpu.memory_space<vmem>>
        %dma_wait3A_169 = arith.constant 0 : i32
        %dma_wait3A_170 = arith.constant 0 : i32
        %dma_wait3A_171 = tpu.memref_slice %arg8[%dma_wait3A_169, %dma_wait3A_170] : memref<64x128xf32, #tpu.memory_space<vmem_shared>> -> memref<64x128xf32, #tpu.memory_space<vmem_shared>>
        tpu.wait_indirect_dma semaphore(%run_scoped3A_153 : memref<!tpu.dma_semaphore, #tpu.memory_space<semaphore_mem>>) src(%dma_wait3A_165 : memref<32x128xf32, #tpu.memory_space<vmem>>) dst(%dma_wait3A_171 : memref<64x128xf32, #tpu.memory_space<vmem_shared>>)
        tpu.yield
      }) : () -> ()
    } else {
    }
    %dma_wait3A_117 = arith.constant 32 : i32
    %dma_wait3A_118 = arith.constant 0 : i32
    %dma_wait3A_119 = tpu.memref_slice %arg5[%dma_wait3A_117, %dma_wait3A_118] : memref<96x128xf32, #tpu.memory_space<vmem>> -> memref<32x128xf32, #tpu.memory_space<vmem>>
    %dma_wait3A_120 = arith.constant 0 : i32
    %dma_wait3A_121 = tpu.memref_slice %arg2[%min3A_31, %dma_wait3A_120] : memref<10000x128xf32, #tpu.memory_space<hbm>> -> memref<32x128xf32, #tpu.memory_space<hbm>>
    %dma_wait3A_122 = arith.constant 32 : i32
    %dma_wait3A_123 = arith.constant 0 : i32
    %dma_wait3A_124 = tpu.memref_slice %arg5[%dma_wait3A_122, %dma_wait3A_123] : memref<96x128xf32, #tpu.memory_space<vmem>> -> memref<32x128xf32, #tpu.memory_space<vmem>>
    %dma_wait3A_125 = arith.constant 0 : i32
    %dma_wait3A_126 = tpu.memref_slice %arg2[%min3A_31, %dma_wait3A_125] : memref<10000x128xf32, #tpu.memory_space<hbm>> -> memref<32x128xf32, #tpu.memory_space<hbm>>
    tpu.wait_dma2 semaphore(%arg10 : memref<!tpu.dma_semaphore, #tpu.memory_space<semaphore_mem>>) src(%dma_wait3A_126 : memref<32x128xf32, #tpu.memory_space<hbm>>) dst(%dma_wait3A_124 : memref<32x128xf32, #tpu.memory_space<vmem>>)
    %gt3A_127 = arith.constant 1 : i32
    %gt3A_128 = arith.cmpi sgt, %select_n3A, %gt3A_127 : i32
    %convert_element_type3A_129 = arith.extui %gt3A_128 : i1 to i32
    %cond3A_130 = arith.constant 0 : i32
    %cond3A_131 = arith.cmpi ne, %convert_element_type3A_129, %cond3A_130 : i32
    scf.if %cond3A_131 {
      %run_scoped3A = arith.constant 1 : i32
      "tpu.region"() ({
        %run_scoped3A_153 = tpu.sem_alloc : memref<!tpu.dma_semaphore, #tpu.memory_space<semaphore_mem>>
        %dma_start3A_154 = arith.constant 32 : i32
        %dma_start3A_155 = arith.constant 0 : i32
        %dma_start3A_156 = tpu.memref_slice %arg5[%dma_start3A_154, %dma_start3A_155] : memref<96x128xf32, #tpu.memory_space<vmem>> -> memref<32x128xf32, #tpu.memory_space<vmem>>
        %dma_start3A_157 = arith.constant 0 : i32
        %dma_start3A_158 = tpu.memref_slice %arg6[%run_scoped3A, %dma_start3A_157] : memref<3x32xi32, #tpu.memory_space<vmem>> -> memref<1x32xi32, #tpu.memory_space<vmem>>
        %dma_start3A_159 = tpu.memref_squeeze %dma_start3A_158 : memref<1x32xi32, #tpu.memory_space<vmem>> -> memref<32xi32, #tpu.memory_space<vmem>>
        %dma_start3A_160 = arith.constant 0 : i32
        %dma_start3A_161 = arith.constant 0 : i32
        %dma_start3A_162 = tpu.memref_slice %arg8[%dma_start3A_160, %dma_start3A_161] : memref<64x128xf32, #tpu.memory_space<vmem_shared>> -> memref<64x128xf32, #tpu.memory_space<vmem_shared>>
        tpu.enqueue_indirect_dma source(%dma_start3A_156 : memref<32x128xf32, #tpu.memory_space<vmem>>) target(%dma_start3A_162 : memref<64x128xf32, #tpu.memory_space<vmem_shared>>) offsets(%dma_start3A_159 : memref<32xi32, #tpu.memory_space<vmem>>) semaphore(%run_scoped3A_153 : memref<!tpu.dma_semaphore, #tpu.memory_space<semaphore_mem>>) {add = true}
        %dma_wait3A_163 = arith.constant 32 : i32
        %dma_wait3A_164 = arith.constant 0 : i32
        %dma_wait3A_165 = tpu.memref_slice %arg5[%dma_wait3A_163, %dma_wait3A_164] : memref<96x128xf32, #tpu.memory_space<vmem>> -> memref<32x128xf32, #tpu.memory_space<vmem>>
        %dma_wait3A_166 = arith.constant 0 : i32
        %dma_wait3A_167 = tpu.memref_slice %arg6[%run_scoped3A, %dma_wait3A_166] : memref<3x32xi32, #tpu.memory_space<vmem>> -> memref<1x32xi32, #tpu.memory_space<vmem>>
        %dma_wait3A_168 = tpu.memref_squeeze %dma_wait3A_167 : memref<1x32xi32, #tpu.memory_space<vmem>> -> memref<32xi32, #tpu.memory_space<vmem>>
        %dma_wait3A_169 = arith.constant 0 : i32
        %dma_wait3A_170 = arith.constant 0 : i32
        %dma_wait3A_171 = tpu.memref_slice %arg8[%dma_wait3A_169, %dma_wait3A_170] : memref<64x128xf32, #tpu.memory_space<vmem_shared>> -> memref<64x128xf32, #tpu.memory_space<vmem_shared>>
        tpu.wait_indirect_dma semaphore(%run_scoped3A_153 : memref<!tpu.dma_semaphore, #tpu.memory_space<semaphore_mem>>) src(%dma_wait3A_165 : memref<32x128xf32, #tpu.memory_space<vmem>>) dst(%dma_wait3A_171 : memref<64x128xf32, #tpu.memory_space<vmem_shared>>)
        tpu.yield
      }) : () -> ()
    } else {
    }
    %dma_wait3A_132 = arith.constant 64 : i32
    %dma_wait3A_133 = arith.constant 0 : i32
    %dma_wait3A_134 = tpu.memref_slice %arg5[%dma_wait3A_132, %dma_wait3A_133] : memref<96x128xf32, #tpu.memory_space<vmem>> -> memref<32x128xf32, #tpu.memory_space<vmem>>
    %dma_wait3A_135 = arith.constant 0 : i32
    %dma_wait3A_136 = tpu.memref_slice %arg2[%min3A_54, %dma_wait3A_135] : memref<10000x128xf32, #tpu.memory_space<hbm>> -> memref<32x128xf32, #tpu.memory_space<hbm>>
    %dma_wait3A_137 = arith.constant 64 : i32
    %dma_wait3A_138 = arith.constant 0 : i32
    %dma_wait3A_139 = tpu.memref_slice %arg5[%dma_wait3A_137, %dma_wait3A_138] : memref<96x128xf32, #tpu.memory_space<vmem>> -> memref<32x128xf32, #tpu.memory_space<vmem>>
    %dma_wait3A_140 = arith.constant 0 : i32
    %dma_wait3A_141 = tpu.memref_slice %arg2[%min3A_54, %dma_wait3A_140] : memref<10000x128xf32, #tpu.memory_space<hbm>> -> memref<32x128xf32, #tpu.memory_space<hbm>>
    tpu.wait_dma2 semaphore(%arg11 : memref<!tpu.dma_semaphore, #tpu.memory_space<semaphore_mem>>) src(%dma_wait3A_141 : memref<32x128xf32, #tpu.memory_space<hbm>>) dst(%dma_wait3A_139 : memref<32x128xf32, #tpu.memory_space<vmem>>)
    %gt3A_142 = arith.constant 2 : i32
    %gt3A_143 = arith.cmpi sgt, %select_n3A, %gt3A_142 : i32
    %convert_element_type3A_144 = arith.extui %gt3A_143 : i1 to i32
    %cond3A_145 = arith.constant 0 : i32
    %cond3A_146 = arith.cmpi ne, %convert_element_type3A_144, %cond3A_145 : i32
    scf.if %cond3A_146 {
      %run_scoped3A = arith.constant 2 : i32
      "tpu.region"() ({
        %run_scoped3A_153 = tpu.sem_alloc : memref<!tpu.dma_semaphore, #tpu.memory_space<semaphore_mem>>
        %dma_start3A_154 = arith.constant 64 : i32
        %dma_start3A_155 = arith.constant 0 : i32
        %dma_start3A_156 = tpu.memref_slice %arg5[%dma_start3A_154, %dma_start3A_155] : memref<96x128xf32, #tpu.memory_space<vmem>> -> memref<32x128xf32, #tpu.memory_space<vmem>>
        %dma_start3A_157 = arith.constant 0 : i32
        %dma_start3A_158 = tpu.memref_slice %arg6[%run_scoped3A, %dma_start3A_157] : memref<3x32xi32, #tpu.memory_space<vmem>> -> memref<1x32xi32, #tpu.memory_space<vmem>>
        %dma_start3A_159 = tpu.memref_squeeze %dma_start3A_158 : memref<1x32xi32, #tpu.memory_space<vmem>> -> memref<32xi32, #tpu.memory_space<vmem>>
        %dma_start3A_160 = arith.constant 0 : i32
        %dma_start3A_161 = arith.constant 0 : i32
        %dma_start3A_162 = tpu.memref_slice %arg8[%dma_start3A_160, %dma_start3A_161] : memref<64x128xf32, #tpu.memory_space<vmem_shared>> -> memref<64x128xf32, #tpu.memory_space<vmem_shared>>
        tpu.enqueue_indirect_dma source(%dma_start3A_156 : memref<32x128xf32, #tpu.memory_space<vmem>>) target(%dma_start3A_162 : memref<64x128xf32, #tpu.memory_space<vmem_shared>>) offsets(%dma_start3A_159 : memref<32xi32, #tpu.memory_space<vmem>>) semaphore(%run_scoped3A_153 : memref<!tpu.dma_semaphore, #tpu.memory_space<semaphore_mem>>) {add = true}
        %dma_wait3A_163 = arith.constant 64 : i32
        %dma_wait3A_164 = arith.constant 0 : i32
        %dma_wait3A_165 = tpu.memref_slice %arg5[%dma_wait3A_163, %dma_wait3A_164] : memref<96x128xf32, #tpu.memory_space<vmem>> -> memref<32x128xf32, #tpu.memory_space<vmem>>
        %dma_wait3A_166 = arith.constant 0 : i32
        %dma_wait3A_167 = tpu.memref_slice %arg6[%run_scoped3A, %dma_wait3A_166] : memref<3x32xi32, #tpu.memory_space<vmem>> -> memref<1x32xi32, #tpu.memory_space<vmem>>
        %dma_wait3A_168 = tpu.memref_squeeze %dma_wait3A_167 : memref<1x32xi32, #tpu.memory_space<vmem>> -> memref<32xi32, #tpu.memory_space<vmem>>
        %dma_wait3A_169 = arith.constant 0 : i32
        %dma_wait3A_170 = arith.constant 0 : i32
        %dma_wait3A_171 = tpu.memref_slice %arg8[%dma_wait3A_169, %dma_wait3A_170] : memref<64x128xf32, #tpu.memory_space<vmem_shared>> -> memref<64x128xf32, #tpu.memory_space<vmem_shared>>
        tpu.wait_indirect_dma semaphore(%run_scoped3A_153 : memref<!tpu.dma_semaphore, #tpu.memory_space<semaphore_mem>>) src(%dma_wait3A_165 : memref<32x128xf32, #tpu.memory_space<vmem>>) dst(%dma_wait3A_171 : memref<64x128xf32, #tpu.memory_space<vmem_shared>>)
        tpu.yield
      }) : () -> ()
    } else {
    }
    %barrier3A_147 = arith.constant 0 : index
    tpu.barrier barrier_id(%barrier3A_147)
    %lt3A_148 = arith.constant 8 : i32
    %lt3A_149 = arith.cmpi slt, %arg1, %lt3A_148 : i32
    %convert_element_type3A_150 = arith.extui %lt3A_149 : i1 to i32
    %cond3A_151 = arith.constant 0 : i32
    %cond3A_152 = arith.cmpi ne, %convert_element_type3A_150, %cond3A_151 : i32
    scf.if %cond3A_152 {
      %mul3A_153 = arith.constant 8 : i32
      %mul3A_154 = arith.muli %arg1, %mul3A_153 : i32
      %mul3A_155 = arith.constant 8 : i32
      %mul3A_156 = arith.muli %arg1, %mul3A_155 : i32
      "tpu.region"() ({
        %run_scoped3A = tpu.sem_alloc : memref<!tpu.dma_semaphore, #tpu.memory_space<semaphore_mem>>
        %dma_start3A_157 = arith.constant 0 : i32
        %dma_start3A_158 = arith.constant 0 : i32
        %dma_start3A_159 = tpu.memref_slice %arg4[%arg0, %dma_start3A_157, %dma_start3A_158] : memref<2x64x128xf32, #tpu.memory_space<hbm>> -> memref<1x64x128xf32, #tpu.memory_space<hbm>>
        %dma_start3A_160 = tpu.memref_squeeze %dma_start3A_159 : memref<1x64x128xf32, #tpu.memory_space<hbm>> -> memref<64x128xf32, #tpu.memory_space<hbm>>
        %dma_start3A_161 = arith.constant 0 : i32
        %dma_start3A_162 = tpu.memref_slice %dma_start3A_160[%mul3A_156, %dma_start3A_161] : memref<64x128xf32, #tpu.memory_space<hbm>> -> memref<8x128xf32, #tpu.memory_space<hbm>>
        %dma_start3A_163 = arith.constant 0 : i32
        %dma_start3A_164 = tpu.memref_slice %arg8[%mul3A_154, %dma_start3A_163] : memref<64x128xf32, #tpu.memory_space<vmem_shared>> -> memref<8x128xf32, #tpu.memory_space<vmem_shared>>
        tpu.enqueue_dma source(%dma_start3A_164 : memref<8x128xf32, #tpu.memory_space<vmem_shared>>) target(%dma_start3A_162 : memref<8x128xf32, #tpu.memory_space<hbm>>) target_semaphore(%run_scoped3A : memref<!tpu.dma_semaphore, #tpu.memory_space<semaphore_mem>>)
        %dma_wait3A_165 = arith.constant 0 : i32
        %dma_wait3A_166 = arith.constant 0 : i32
        %dma_wait3A_167 = tpu.memref_slice %arg4[%arg0, %dma_wait3A_165, %dma_wait3A_166] : memref<2x64x128xf32, #tpu.memory_space<hbm>> -> memref<1x64x128xf32, #tpu.memory_space<hbm>>
        %dma_wait3A_168 = tpu.memref_squeeze %dma_wait3A_167 : memref<1x64x128xf32, #tpu.memory_space<hbm>> -> memref<64x128xf32, #tpu.memory_space<hbm>>
        %dma_wait3A_169 = arith.constant 0 : i32
        %dma_wait3A_170 = tpu.memref_slice %dma_wait3A_168[%mul3A_156, %dma_wait3A_169] : memref<64x128xf32, #tpu.memory_space<hbm>> -> memref<8x128xf32, #tpu.memory_space<hbm>>
        %dma_wait3A_171 = arith.constant 0 : i32
        %dma_wait3A_172 = tpu.memref_slice %arg8[%mul3A_154, %dma_wait3A_171] : memref<64x128xf32, #tpu.memory_space<vmem_shared>> -> memref<8x128xf32, #tpu.memory_space<vmem_shared>>
        tpu.wait_dma2 semaphore(%run_scoped3A : memref<!tpu.dma_semaphore, #tpu.memory_space<semaphore_mem>>) src(%dma_wait3A_172 : memref<8x128xf32, #tpu.memory_space<vmem_shared>>) dst(%dma_wait3A_170 : memref<8x128xf32, #tpu.memory_space<hbm>>)
        tpu.yield
      }) : () -> ()
    } else {
    }
    return
  }
}

module attributes {stable_mosaic.version = 14 : i64} {
  func.func @body(%arg0: i32, %arg1: memref<2x64x128xf32, #tpu.memory_space<vmem>>, %arg2: memref<64x128xf32, #tpu.memory_space<vmem>>, %arg3: memref<64x256xf32, #tpu.memory_space<vmem>>, %arg4: memref<128x256xf32, #tpu.memory_space<vmem>>, %arg5: memref<256x128xf32, #tpu.memory_space<vmem>>, %arg6: memref<1x128xf32, #tpu.memory_space<vmem>>, %arg7: memref<64x128xf32, #tpu.memory_space<vmem>>) attributes {dimension_semantics = [#tpu.dimension_semantics<arbitrary>], iteration_bounds = array<i64: 1>, scalar_prefetch = 0 : i64, scratch_operands = 0 : i64, tpu.core_type = #tpu.core_type<tc>, window_params = [{pipeline_mode = #tpu.pipeline_mode<synchronous>, transform_indices = @transform_0, window_bounds = array<i64: 2, 64, 128>}, {pipeline_mode = #tpu.pipeline_mode<synchronous>, transform_indices = @transform_1, window_bounds = array<i64: 64, 128>}, {pipeline_mode = #tpu.pipeline_mode<synchronous>, transform_indices = @transform_2, window_bounds = array<i64: 64, 256>}, {transform_indices = @transform_3, window_bounds = array<i64: 128, 256>}, {pipeline_mode = #tpu.pipeline_mode<synchronous>, transform_indices = @transform_4, window_bounds = array<i64: 256, 128>}, {pipeline_mode = #tpu.pipeline_mode<synchronous>, transform_indices = @transform_5, window_bounds = array<i64: 1, 128>}, {pipeline_mode = #tpu.pipeline_mode<synchronous>, transform_indices = @transform_6, window_bounds = array<i64: 64, 128>}]} {
    %get3A = arith.constant 0 : index
    %get3A_0 = arith.constant 0 : index
    %get3A_1 = arith.constant 0 : index
    %get3A_2 = vector.load %arg1[%get3A, %get3A_0, %get3A_1] : memref<2x64x128xf32, #tpu.memory_space<vmem>>, vector<1x64x128xf32>
    %get3A_3 = vector.shape_cast %get3A_2 : vector<1x64x128xf32> to vector<64x128xf32>
    %get3A_4 = arith.constant 1 : index
    %get3A_5 = arith.constant 0 : index
    %get3A_6 = arith.constant 0 : index
    %get3A_7 = vector.load %arg1[%get3A_4, %get3A_5, %get3A_6] : memref<2x64x128xf32, #tpu.memory_space<vmem>>, vector<1x64x128xf32>
    %get3A_8 = vector.shape_cast %get3A_7 : vector<1x64x128xf32> to vector<64x128xf32>
    %add3A = arith.addf %get3A_3, %get3A_8 : vector<64x128xf32>
    %get3A_9 = arith.constant 0 : index
    %get3A_10 = arith.constant 0 : index
    %get3A_11 = vector.load %arg2[%get3A_9, %get3A_10] : memref<64x128xf32, #tpu.memory_space<vmem>>, vector<64x128xf32>
    %add3A_12 = arith.addf %add3A, %get3A_11 : vector<64x128xf32>
    %get3A_13 = arith.constant 0 : index
    %get3A_14 = arith.constant 0 : index
    %get3A_15 = vector.load %arg3[%get3A_13, %get3A_14] : memref<64x256xf32, #tpu.memory_space<vmem>>, vector<64x256xf32>
    %get3A_16 = arith.constant 0 : index
    %get3A_17 = arith.constant 0 : index
    %get3A_18 = vector.load %arg4[%get3A_16, %get3A_17] : memref<128x256xf32, #tpu.memory_space<vmem>>, vector<128x256xf32>
    %dot_general3A = arith.constant dense<0.000000e+00> : vector<64x256xf32>
    %dot_general3A_19 = tpu.matmul %add3A_12, %get3A_18, %dot_general3A {dimension_numbers = #tpu.dot_dimension_numbers<[1], [0], [0], [1], [0, 0, 1, 1], [], []>, transpose_lhs_hint = false} : vector<64x128xf32>, vector<128x256xf32>, vector<64x256xf32> -> vector<64x256xf32>
    %add3A_20 = arith.addf %get3A_15, %dot_general3A_19 : vector<64x256xf32>
    %max3A = arith.constant 0.000000e+00 : f32
    %max3A_21 = vector.broadcast %max3A : f32 to vector<64x256xf32>
    %max3A_22 = arith.maximumf %add3A_20, %max3A_21 : vector<64x256xf32>
    %get3A_23 = arith.constant 0 : index
    %get3A_24 = arith.constant 0 : index
    %get3A_25 = vector.load %arg5[%get3A_23, %get3A_24] : memref<256x128xf32, #tpu.memory_space<vmem>>, vector<256x128xf32>
    %dot_general3A_26 = arith.constant dense<0.000000e+00> : vector<64x128xf32>
    %dot_general3A_27 = tpu.matmul %max3A_22, %get3A_25, %dot_general3A_26 {dimension_numbers = #tpu.dot_dimension_numbers<[1], [0], [0], [1], [0, 0, 1, 1], [], []>, transpose_lhs_hint = false} : vector<64x256xf32>, vector<256x128xf32>, vector<64x128xf32> -> vector<64x128xf32>
    %get3A_28 = arith.constant 0 : index
    %get3A_29 = arith.constant 0 : index
    %get3A_30 = vector.load %arg6[%get3A_28, %get3A_29] : memref<1x128xf32, #tpu.memory_space<vmem>>, vector<1x128xf32>
    %add3A_31 = vector.broadcast %get3A_30 : vector<1x128xf32> to vector<64x128xf32>
    %add3A_32 = arith.addf %dot_general3A_27, %add3A_31 : vector<64x128xf32>
    %swap3A = arith.constant 0 : index
    %swap3A_33 = arith.constant 0 : index
    %swap3A_34 = vector.load %arg7[%swap3A, %swap3A_33] : memref<64x128xf32, #tpu.memory_space<vmem>>, vector<64x128xf32>
    tpu.vector_store %arg7[%swap3A, %swap3A_33], %add3A_32 {strides = array<i32>} : memref<64x128xf32, #tpu.memory_space<vmem>>, vector<64x128xf32>,
    return
  }
  func.func @transform_0(%arg0: i32) -> (i32, i32, i32) {
    %c0_i32 = arith.constant 0 : i32
    %c0_i32_0 = arith.constant 0 : i32
    %c0_i32_1 = arith.constant 0 : i32
    %c0_i32_2 = arith.constant 0 : i32
    return %c0_i32, %c0_i32_0, %c0_i32_1 : i32, i32, i32
  }
  func.func @transform_1(%arg0: i32) -> (i32, i32) {
    %c0_i32 = arith.constant 0 : i32
    %c0_i32_0 = arith.constant 0 : i32
    %c0_i32_1 = arith.constant 0 : i32
    return %c0_i32, %c0_i32_0 : i32, i32
  }
  func.func @transform_2(%arg0: i32) -> (i32, i32) {
    %c0_i32 = arith.constant 0 : i32
    %c0_i32_0 = arith.constant 0 : i32
    %c0_i32_1 = arith.constant 0 : i32
    return %c0_i32, %c0_i32_0 : i32, i32
  }
  func.func @transform_3(%arg0: i32) -> (i32, i32) {
    %c1_i32 = arith.constant 1 : i32
    %c0_i32 = arith.constant 0 : i32
    %c0_i32_0 = arith.constant 0 : i32
    return %c1_i32, %c0_i32 : i32, i32
  }
  func.func @transform_4(%arg0: i32) -> (i32, i32) {
    %c0_i32 = arith.constant 0 : i32
    %c0_i32_0 = arith.constant 0 : i32
    %c0_i32_1 = arith.constant 0 : i32
    return %c0_i32, %c0_i32_0 : i32, i32
  }
  func.func @transform_5(%arg0: i32) -> (i32, i32) {
    %c0_i32 = arith.constant 0 : i32
    %c0_i32_0 = arith.constant 0 : i32
    %c0_i32_1 = arith.constant 0 : i32
    return %c0_i32, %c0_i32_0 : i32, i32
  }
  func.func @transform_6(%arg0: i32) -> (i32, i32) {
    %c0_i32 = arith.constant 0 : i32
    %c0_i32_0 = arith.constant 0 : i32
    %c0_i32_1 = arith.constant 0 : i32
    return %c0_i32, %c0_i32_0 : i32, i32
  }
}

module attributes {stable_mosaic.version = 14 : i64} {
  func.func @body(%arg0: i32, %arg1: memref<6992x128xf32, #tpu.memory_space<vmem>>, %arg2: memref<1x10000xi32, #tpu.memory_space<vmem>>, %arg3: memref<64x128xf32, #tpu.memory_space<vmem>>, %arg4: memref<128x256xf32, #tpu.memory_space<vmem>>, %arg5: memref<1x256xf32, #tpu.memory_space<vmem>>, %arg6: memref<64x128xf32, #tpu.memory_space<vmem>>, %arg7: memref<64x256xf32, #tpu.memory_space<vmem>>) attributes {dimension_semantics = [#tpu.dimension_semantics<arbitrary>], iteration_bounds = array<i64: 1>, scalar_prefetch = 0 : i64, scratch_operands = 0 : i64, tpu.core_type = #tpu.core_type<tc>, window_params = [{transform_indices = @transform_0, window_bounds = array<i64: 6992, 128>}, {pipeline_mode = #tpu.pipeline_mode<synchronous>, transform_indices = @transform_1, window_bounds = array<i64: 1, 10000>}, {pipeline_mode = #tpu.pipeline_mode<synchronous>, transform_indices = @transform_2, window_bounds = array<i64: 64, 128>}, {transform_indices = @transform_3, window_bounds = array<i64: 128, 256>}, {pipeline_mode = #tpu.pipeline_mode<synchronous>, transform_indices = @transform_4, window_bounds = array<i64: 1, 256>}, {pipeline_mode = #tpu.pipeline_mode<synchronous>, transform_indices = @transform_5, window_bounds = array<i64: 64, 128>}, {pipeline_mode = #tpu.pipeline_mode<synchronous>, transform_indices = @transform_6, window_bounds = array<i64: 64, 256>}]} {
    %get3A = arith.constant 0 : index
    %get3A_0 = arith.constant 0 : index
    %get3A_1 = vector.load %arg2[%get3A, %get3A_0] : memref<1x10000xi32, #tpu.memory_space<vmem>>, vector<1x10000xi32>
    %slice3A = vector.extract_strided_slice %get3A_1 {offsets = [0, 0], sizes = [1, 6992], strides = [1, 1]} : vector<1x10000xi32> to vector<1x6992xi32>
    %iota3A = tpu.iota {dimensions = array<i32: 0>} : vector<64x1xi32>
    %eq3A = vector.broadcast %slice3A : vector<1x6992xi32> to vector<64x6992xi32>
    %eq3A_2 = vector.broadcast %iota3A : vector<64x1xi32> to vector<64x6992xi32>
    %eq3A_3 = arith.cmpi eq, %eq3A, %eq3A_2 : vector<64x6992xi32>
    %convert_element_type3A = arith.extui %eq3A_3 : vector<64x6992xi1> to vector<64x6992xi32>
    %convert_element_type3A_4 = arith.sitofp %convert_element_type3A : vector<64x6992xi32> to vector<64x6992xf32>
    %get3A_5 = arith.constant 0 : index
    %get3A_6 = arith.constant 0 : index
    %get3A_7 = vector.load %arg1[%get3A_5, %get3A_6] : memref<6992x128xf32, #tpu.memory_space<vmem>>, vector<6992x128xf32>
    %dot_general3A = arith.constant dense<0.000000e+00> : vector<64x128xf32>
    %dot_general3A_8 = tpu.matmul %convert_element_type3A_4, %get3A_7, %dot_general3A {dimension_numbers = #tpu.dot_dimension_numbers<[1], [0], [0], [1], [0, 0, 1, 1], [], []>, transpose_lhs_hint = false} : vector<64x6992xf32>, vector<6992x128xf32>, vector<64x128xf32> -> vector<64x128xf32>
    %swap3A = arith.constant 0 : index
    %swap3A_9 = arith.constant 0 : index
    %swap3A_10 = vector.load %arg6[%swap3A, %swap3A_9] : memref<64x128xf32, #tpu.memory_space<vmem>>, vector<64x128xf32>
    tpu.vector_store %arg6[%swap3A, %swap3A_9], %dot_general3A_8 {strides = array<i32>} : memref<64x128xf32, #tpu.memory_space<vmem>>, vector<64x128xf32>,
    %get3A_11 = arith.constant 0 : index
    %get3A_12 = arith.constant 0 : index
    %get3A_13 = vector.load %arg3[%get3A_11, %get3A_12] : memref<64x128xf32, #tpu.memory_space<vmem>>, vector<64x128xf32>
    %get3A_14 = arith.constant 0 : index
    %get3A_15 = arith.constant 0 : index
    %get3A_16 = vector.load %arg4[%get3A_14, %get3A_15] : memref<128x256xf32, #tpu.memory_space<vmem>>, vector<128x256xf32>
    %dot_general3A_17 = arith.constant dense<0.000000e+00> : vector<64x256xf32>
    %dot_general3A_18 = tpu.matmul %get3A_13, %get3A_16, %dot_general3A_17 {dimension_numbers = #tpu.dot_dimension_numbers<[1], [0], [0], [1], [0, 0, 1, 1], [], []>, transpose_lhs_hint = false} : vector<64x128xf32>, vector<128x256xf32>, vector<64x256xf32> -> vector<64x256xf32>
    %get3A_19 = arith.constant 0 : index
    %get3A_20 = arith.constant 0 : index
    %get3A_21 = vector.load %arg5[%get3A_19, %get3A_20] : memref<1x256xf32, #tpu.memory_space<vmem>>, vector<1x256xf32>
    %add3A = vector.broadcast %get3A_21 : vector<1x256xf32> to vector<64x256xf32>
    %add3A_22 = arith.addf %dot_general3A_18, %add3A : vector<64x256xf32>
    %swap3A_23 = arith.constant 0 : index
    %swap3A_24 = arith.constant 0 : index
    %swap3A_25 = vector.load %arg7[%swap3A_23, %swap3A_24] : memref<64x256xf32, #tpu.memory_space<vmem>>, vector<64x256xf32>
    tpu.vector_store %arg7[%swap3A_23, %swap3A_24], %add3A_22 {strides = array<i32>} : memref<64x256xf32, #tpu.memory_space<vmem>>, vector<64x256xf32>,
    return
  }
  func.func @transform_0(%arg0: i32) -> (i32, i32) {
    %c0_i32 = arith.constant 0 : i32
    %c0_i32_0 = arith.constant 0 : i32
    %c0_i32_1 = arith.constant 0 : i32
    return %c0_i32, %c0_i32_0 : i32, i32
  }
  func.func @transform_1(%arg0: i32) -> (i32, i32) {
    %c0_i32 = arith.constant 0 : i32
    %c0_i32_0 = arith.constant 0 : i32
    %c0_i32_1 = arith.constant 0 : i32
    return %c0_i32, %c0_i32_0 : i32, i32
  }
  func.func @transform_2(%arg0: i32) -> (i32, i32) {
    %c0_i32 = arith.constant 0 : i32
    %c0_i32_0 = arith.constant 0 : i32
    %c0_i32_1 = arith.constant 0 : i32
    return %c0_i32, %c0_i32_0 : i32, i32
  }
  func.func @transform_3(%arg0: i32) -> (i32, i32) {
    %c0_i32 = arith.constant 0 : i32
    %c0_i32_0 = arith.constant 0 : i32
    %c0_i32_1 = arith.constant 0 : i32
    return %c0_i32, %c0_i32_0 : i32, i32
  }
  func.func @transform_4(%arg0: i32) -> (i32, i32) {
    %c0_i32 = arith.constant 0 : i32
    %c0_i32_0 = arith.constant 0 : i32
    %c0_i32_1 = arith.constant 0 : i32
    return %c0_i32, %c0_i32_0 : i32, i32
  }
  func.func @transform_5(%arg0: i32) -> (i32, i32) {
    %c0_i32 = arith.constant 0 : i32
    %c0_i32_0 = arith.constant 0 : i32
    %c0_i32_1 = arith.constant 0 : i32
    return %c0_i32, %c0_i32_0 : i32, i32
  }
  func.func @transform_6(%arg0: i32) -> (i32, i32) {
    %c0_i32 = arith.constant 0 : i32
    %c0_i32_0 = arith.constant 0 : i32
    %c0_i32_1 = arith.constant 0 : i32
    return %c0_i32, %c0_i32_0 : i32, i32
  }
}

</mosaic_0001>

<sc_bundles>
// kernel: kernel.5.cloned.1.call-start
scs
__scs_entry_jumppad:
0x0: {  	(pc) =	sbr.rel $0x88, $3  }
0x1: {  	(tag) =	ssettag $0x0;
	lr =	simm.s32 $0x1  }
0x2: {  	[smem:$0x3F9A] =	sst lr;
	_ =	strace $0xD0000000  }
0x3: {  	_ = 	snop  }
0x4: {  	_ = 	snop  }
0x5: {  	_ = 	snop  }
0x6: {  	_ = 	snop  }
0x7: {  	_ = 	snop  }
__scs_overlays_trampoline_lowered:
0x8: {  	[smem:$0x3FA9] =	sst s0  }
0x9: {  	[smem:$0x3FAA] =	sst s1  }
0xa: {  	[smem:$0x3FAB] =	sst s2  }
0xb: {  	[smem:$0x3FAC] =	sst s3  }
0xc: {  	[smem:$0x3FAD] =	sst s4  }
0xd: {  	[smem:$0x3FAE] =	sst s5  }
0xe: {  	[smem:$0x3FAF] =	sst s6  }
0xf: {  	[smem:$0x3FB0] =	sst s7  }
0x10: {  	[smem:$0x3FB1] =	sst s8  }
0x11: {  	[smem:$0x3FB2] =	sst s9;
	s0 =	simm.s32 @!p0 $0x0  }
0x12: {  	s1 =	sld [smem:$0x3F98];
	s0 =	simm.s32 @p0 $0x1  }
0x13: {  	[smem:$0x3FB3] =	sst s0;
	s0 =	simm.s32 @!p1 $0x0  }
0x14: {  	s2 =	sld [smem:$0x3F97];
	s0 =	simm.s32 @p1 $0x1  }
0x15: {  	[smem:$0x3FB4] =	sst s0;
	s0 =	simm.s32 @!p2 $0x0  }
0x16: {  	s3 =	sld [smem:$0x3FDB];
	s0 =	simm.s32 @p2 $0x1  }
0x17: {  	s4 =	simm.s32 $0x1BF5;
	[smem:$0x3FB6] =	sst s0  }
0x18: {  	s0 =	sld [smem:$0x3F99];
	_ =	swait.ge [sflag:s4], $0x0  }
0x19: {  	s7 =	sld [smem:$0x3F9A]  }
0x1a: {  	s8 =	sadd.s32 $0xFFFFE003, lr  }
0x1b: {  	s9 =	sadd.s32 $0xFFFFFEF7, lr;
	s5 =	simm.s32 $0xFFFFFFFF;
	p2 =	slt.u32 s8, $0xFFFFF086  }
0x1c: {  	p1 =	slt.u32 s9, $0xF7A;
	s5 =	simm.s32 @!p2 $0x0  }
0x1d: {  	s5 =	simm.s32 @p1 $0x1;
	p0 =	seq.s32 s7, s2  }
0x1e: {  	s7 =	smul.u32 @!p0 $0xF7A, s2;
	p2 =	seq.s32 @!p0 s5, $0x0  }
0x1f: {  	s9 =	smul.u32 $0xF7A, s1;
	s8 =	simm.s32 @!p0 $0x1BF5;
	p2 =	por !p2, p0  }
0x20: {  	[sflag:s8] =	ssyncset.s32 @!p0 $0xFFFFF086;
	s6 =	sadd.s32 @!p0 s3, s7;
	s7 =	simm.s32 @!p0 $0x108  }
0x21: {  	s3 =	sadd.s32 s3, s9;
	s6 =	sadd.s32 @!p0 $0x88, s6;
	s7 =	simm.s32 @p2 $0x1082  }
0x22: {  	[simem:s7], [sflag:s8] =	dma.local @!p0 [hbm:s6], $0xF7A  }
0x23: {  	s9 =	sor.u32 $0xD0000000, s2;
	s6 =	simm.s32 $0x108;
	_ =	swait.ge @!p0 [sflag:s8], $0x0  }
0x24: {  	s3 =	sadd.s32 $0x88, s3;
	s6 =	simm.s32 @!p1 $0x1082;
	[sflag:s4] =	ssyncset.s32 $0xFFFFF086  }
0x25: {  	[simem:s6], [sflag:s4] =	dma.local [hbm:s3], $0xF7A  }
0x26: {  	[smem:$0x3F9A] =	sst s1;
	(tag) =	ssettag s2;
	_ =	strace s9  }
0x27: {  	s1 =	sld [smem:$0x3FAA]  }
0x28: {  	s2 =	sld [smem:$0x3FAB]  }
0x29: {  	s4 =	sld [smem:$0x3FAD]  }
0x2a: {  	p0 =	seq.s32 s5, $0x0;
	s5 =	sld [smem:$0x3FAE]  }
0x2b: {  	s6 =	sld [smem:$0x3FAF]  }
0x2c: {  	s7 =	sld [smem:$0x3FB0]  }
0x2d: {  	s3 =	simm.s32 $0x108;
	s8 =	sld [smem:$0x3FB1]  }
0x2e: {  	s3 =	simm.s32 @!p0 $0x1082;
	s9 =	sld [smem:$0x3FB2]  }
0x2f: {  	lr =	sadd.s32 s0, s3;
	s0 =	sld [smem:$0x3FA9]  }
0x30: {  	s3 =	sld [smem:$0x3FAC]  }
0x31: {  	[smem:$0x3FB5] =	sst s10  }
0x32: {  	s10 =	sld [smem:$0x3FB3];
	_ =	sdelay $0x3  }
0x33: {  	p0 =	seq.s32 s10, $0x1;
	s10 =	sld [smem:$0x3FB5];
	_ =	sdelay $0x3  }
0x34: {  	[smem:$0x3FB5] =	sst s10  }
0x35: {  	s10 =	sld [smem:$0x3FB4];
	_ =	sdelay $0x3  }
0x36: {  	p1 =	seq.s32 s10, $0x1;
	s10 =	sld [smem:$0x3FB5];
	_ =	sdelay $0x3  }
0x37: {  	[smem:$0x3FB5] =	sst s10  }
0x38: {  	s10 =	sld [smem:$0x3FB6]  }
0x39: {  	_ = 	snop;
	(pc) =	sbr.ind lr, $3  }
0x3a: {  	_ = 	snop  }
0x3b: {  	_ = 	snop  }
0x3c: {  	p2 =	seq.s32 s10, $0x1;
	s10 =	sld [smem:$0x3FB5]  }
0x3d: {  	_ =	shalt  }
0x3e: {  	_ =	shalt  }
0x3f: {  	_ =	shalt  }
0x40: {  	_ =	shalt  }
0x41: {  	_ =	shalt  }
0x42: {  	_ =	shalt  }
0x43: {  	_ =	shalt  }
0x44: {  	_ =	shalt  }
0x45: {  	_ =	shalt  }
0x46: {  	_ =	shalt  }
0x47: {  	_ =	shalt  }
0x48: {  	_ =	shalt  }
0x49: {  	_ =	shalt  }
0x4a: {  	_ =	shalt  }
0x4b: {  	_ =	shalt  }
0x4c: {  	_ =	shalt  }
0x4d: {  	_ =	shalt  }
0x4e: {  	_ =	shalt  }
0x4f: {  	_ =	shalt  }
0x50: {  	_ =	shalt  }
0x51: {  	_ =	shalt  }
0x52: {  	_ =	shalt  }
0x53: {  	_ =	shalt  }
0x54: {  	_ =	shalt  }
0x55: {  	_ =	shalt  }
0x56: {  	_ =	shalt  }
0x57: {  	_ =	shalt  }
0x58: {  	_ =	shalt  }
0x59: {  	_ =	shalt  }
0x5a: {  	_ =	shalt  }
0x5b: {  	_ =	shalt  }
0x5c: {  	_ =	shalt  }
0x5d: {  	_ =	shalt  }
0x5e: {  	_ =	shalt  }
0x5f: {  	_ =	shalt  }
0x60: {  	_ =	shalt  }
0x61: {  	_ =	shalt  }
0x62: {  	_ =	shalt  }
0x63: {  	_ =	shalt  }
0x64: {  	_ =	shalt  }
0x65: {  	_ =	shalt  }
0x66: {  	_ =	shalt  }
0x67: {  	_ =	shalt  }
0x68: {  	_ =	shalt  }
0x69: {  	_ =	shalt  }
0x6a: {  	_ =	shalt  }
0x6b: {  	_ =	shalt  }
0x6c: {  	_ =	shalt  }
0x6d: {  	_ =	shalt  }
0x6e: {  	_ =	shalt  }
0x6f: {  	_ =	shalt  }
0x70: {  	_ =	shalt  }
0x71: {  	_ =	shalt  }
0x72: {  	_ =	shalt  }
0x73: {  	_ =	shalt  }
0x74: {  	_ =	shalt  }
0x75: {  	_ =	shalt  }
0x76: {  	_ =	shalt  }
0x77: {  	_ =	shalt  }
0x78: {  	_ =	shalt  }
0x79: {  	_ =	shalt  }
0x7a: {  	_ =	shalt  }
0x7b: {  	_ =	shalt  }
0x7c: {  	_ =	shalt  }
0x7d: {  	_ =	shalt  }
0x7e: {  	_ =	shalt  }
0x7f: {  	_ =	shalt  }
0x80: {  	_ =	shalt  }
0x81: {  	_ =	shalt  }
0x82: {  	_ =	shalt  }
0x83: {  	_ =	shalt  }
0x84: {  	_ =	shalt  }
0x85: {  	_ =	shalt  }
0x86: {  	_ =	shalt  }
0x87: {  	_ =	shalt  }
.Lfunc_end0:
.L_simem_size_0:
called_computation_lowered:
.L_overlay_start_0:
0x88: {  	s2 =	sld [smem:$0x3FD9]  }
0x89: {  	s3 =	sld [smem:$0x3FFE];
	_ =	sdelay $0x1  }
0x8a: {  	s1 =	srdreg.scid  }
0x8b: {  	s0 =	sand.u32 $0x1, s1  }
0x8c: {  	s17 =	sshll.u32 s0, $0xA;
	s2 =	sadd.s32 s3, s2  }
0x8d: {  	s2 =	sadd.s32 s2, s17  }
0x8e: {  	[smem:$0x3FC1] =	sst s2  }
0x8f: {  	_ = 	snop  }
0x90: {  	s2 =	sld [smem:$0x3FC9]  }
0x91: {  	s18 =	sld [smem:$0x3FC7];
	(tm) =	ssettm $0x1  }
0x92: {  	s4 =	sld [smem:$0x3FFB];
	_ =	sdelay $0x3  }
0x93: {  	_ =	strace s4  }
0x94: {  	s4 =	sld [smem:$0x3FFC];
	_ =	sdelay $0x3  }
0x95: {  	_ =	strace s4  }
0x96: {  	s4 =	sld [smem:$0x3FFD];
	_ =	sdelay $0x3  }
0x97: {  	_ =	strace s4  }
0x98: {  	_ =	strace $0x8FFFFFFF  }
0x99: {  	s19 =	sld [smem:$0x3FDB];
	_ =	sdelay $0x1  }
0x9a: {  	s5 =	simm.s32 $_scs_section_size  }
0x9b: {  	s6 =	simm.s32 $_size__tile_overlayer_lowered;
	s7 =	simm.s32 $_tile_overlayer_lowered  }
0x9c: {  	s22 =	simm.s32 $0x1BFF;
	s21 =	sshll.u32 s7, $0x1;
	s4 =	sadd.s32 s5, s19  }
0x9d: {  	s8 =	simm.s32 $0x0;
	s20 =	sshll.u32 s6, $0x1;
	s6 =	sadd.s32 s21, s4  }
0x9e: {  	[timem:s8], [sflag:s22] =	dma.local [hbm:s6], s20  }
0x9f: {  	_ =	swait.ge [sflag:s22], s20  }
0xa0: {  	s5 =	ssub.s32 $0x0, s20;
	[sflag:s22] =	ssyncset.done $0x0  }
0xa1: {  	[sflag:s22] =	ssyncadd.s32 s5;
	_ =	sdelay $0x1  }
0xa2: {  	s23 =	simm.s32 $0x1B8B  }
0xa3: {  	_ =	swait.ge [sflag:s23], $0x1  }
0xa4: {  	[sflag:s23] =	ssyncset.done $0x0  }
0xa5: {  	s25 =	simm.s32 $0x1B8E;
	s24 =	sld [smem:$0x3FFE];
	[sflag:s23] =	ssyncadd.s32 $0xFFFFFFFF  }
0xa6: {  	s26 =	simm.s32 $execute0_lowered;
	[smem:$0x3FD2] =	sst s25  }
0xa7: {  	s6 =	sshll.u32 s26, $0x1;
	_ =	strace $0x80000046;
	[dreg:$0x1] =	wrdreg $0xFFFFFFFF  }
0xa8: {  	s28 =	simm.s32 $_size_execute0_lowered;
	s4 =	sadd.s32 s4, s6;
	[dreg:$0x0] =	wrdreg $0x0  }
0xa9: {  	s6 =	sshll.u32 s28, $0x1;
	[dreg:$0x2] =	wrdreg s4  }
0xaa: {  	[dreg:$0x3] =	wrdreg s6  }
0xab: {  	[dreg:$0x4] =	wrdreg $0xC0  }
0xac: {  	_ =	task [dreg:s8], $0x5FFFF  }
0xad: {  	[dreg:$0x1] =	wrdreg $0xFFFFFFFF  }
0xae: {  	[dreg:$0x0] =	wrdreg $0x60  }
0xaf: {  	[dreg:$0x2] =	wrdreg s2  }
0xb0: {  	[dreg:$0x3] =	wrdreg s18  }
0xb1: {  	[dreg:$0x4] =	wrdreg s24  }
0xb2: {  	[dreg:$0x5] =	wrdreg $0x36000  }
0xb3: {  	[dreg:$0x6] =	wrdreg $0x9  }
0xb4: {  	_ =	task.clear_ibuf [dreg:s8], $0x7FFFF;
	_ =	strace $0x90000046  }
0xb5: {  	s29 =	simm.s32 $0x9;
	_ =	strace $0x80000048  }
0xb6: {  	_ =	swait.ge [sflag:s29], $0x1  }
0xb7: {  	[sflag:s29] =	ssyncadd.s32 $0xFFFFFFFF  }
0xb8: {  	_ =	strace $0x90000048  }
0xb9: {  	_ =	sfence  }
0xba: {  	s30 =	sld [smem:$0x0];
	_ =	sdelay $0x2  }
0xbb: {  	s31 =	sshll.u32 s1, $0xD;
	s1 =	sshrl.u32 s1, $0x2  }
0xbc: {  	s3 =	sand.u32 $0x4000, s31;
	s1 =	sadd.s32 s1, s30  }
0xbd: {  	s0 =	sor.u32 s3, s0;
	s1 =	sshll.u32 s1, $0x11  }
0xbe: {  	s0 =	sor.u32 s1, s0  }
0xbf: {  	s0 =	sadd.s32 $0x8F2B, s0  }
0xc0: {  	[sflag:s0] =	ssyncadd.remote.s32 $0x1  }
0xc1: {  	_ =	sfence.sel $0xFFFF  }
0xc2: {  	[dreg:$0x0] =	wrdreg $0xFFFFFFFF;
	(pc) =	sbr.abs _section_cstart, $3  }
0xc3: {  	[dreg:$0x1] =	wrdreg $0xFFFFFFFF  }
0xc4: {  	_ =	task.clear_ibuf [dreg:s8], $0x2FFFF;
	_ =	strace $0x9FFFFFFF  }
0xc5: {  	(tm) =	ssettm $0x7FFFFFFF  }
tec
execute0_lowered:
.L_overlay_start_1:
0x0: {  	(tag) =	ssettag $0x1  }
0x1: {  	s9 =	rddreg [dreg:$0x0]  }
0x2: {  	s8 =	rddreg [dreg:$0x1]  }
0x3: {  	s4 =	rddreg [dreg:$0x2]  }
0x4: {  	s1 =	srdreg.scid;
	s0 =	stileid.u32  }
0x5: {  	s2 =	rddreg [dreg:$0x3];
	s3 =	simm.s32 $0x0;
	s14 =	simm.s32 $0x1000  }
0x6: {  	s15 =	simm.s32 $0x3100;
	s16 =	simm.s32 $0x2000;
	s17 =	simm.s32 $0x3200  }
0x7: {  	s18 =	simm.s32 $0x5;
	s20 =	simm.s32 $0x1;
	s21 =	simm.s32 $0x20  }
0x8: {  	s22 =	simm.s32 $0x2;
	s5 =	sand.u32 $0x1, s1;
	s1 =	rddreg [dreg:$0x4]  }
0x9: {  	s6 =	sshll.u32 s0, $0x1;
	[smem:$0x7FF] =	sst s3;
	s31 =	sshll.u32 s0, $0xA  }
0xa: {  	p0 =	sgt.u32 s0, $0x7;
	s19 =	sor.u32 s5, s6;
	_ =	strace $0x80000047  }
0xb: {  	s7 =	sshll.u32 s5, $0xA;
	s5 =	ssub.s32 $0x2, s5;
	s6 =	smul.u32 $0x60, s19  }
0xc: {  	s11 =	sadd.s32 s7, s4;
	s23 =	sshrl.u32 s5, $0x1;
	p1 =	seq.s32 s19, $0x1F  }
0xd: {  	s19 =	simm.s32 $0x4;
	s12 =	ssub.s32 s5, s23;
	s23 =	sadd.s32 $0x1600, s11  }
0xe: {  	s24 =	sadd.s32 $0x1B50, s6;
	s26 =	smin.u32 s6, $0xB80;
	s13 =	smin.u32 s6, $0xB60  }
0xf: {  	s11 =	smax.u32 s12, $0x1;
	s12 =	simm.s32 $0x3000;
	s25 =	sshrl.u32 s24, $0x3  }
0x10: {  	s7 =	sshll.u32 s24, $0x4;
	s10 =	sadd.s32 $0x1B70, s26;
	s30 =	sadd.s32 $0x1B90, s13  }
.Ltmp0:
0x11: {  	s24 =	sshll.u32 s0, $0x7;
	s4 =	sadd.s32 s8, s25;
	(pc) =	sbr.rel .LBB2_1-.Ltmp0, $4  }
0x12: {  	s5 =	sadd.s32 s9, s7;
	s28 =	sshrl.u32 s10, $0x3;
	s29 =	sshll.u32 s10, $0x4  }
0x13: {  	s13 =	sshrl.u32 s30, $0x3;
	s10 =	sshll.u32 s30, $0x4;
	s23 =	sadd.s32 @!p0 s24, s23  }
0x14: {  	s6 =	sadd.s32 s8, s28;
	s7 =	sadd.s32 s9, s29;
	s8 =	sadd.s32 s8, s13  }
0x15: {  	v0 =	vimm.f32 $0.0e+00;
	s9 =	sadd.s32 s9, s10;
	s10 =	sadd.s32 s31, s2;
	s13 =	simm.s32 $0x3080  }
.LBB2_3:
0x16: {  	[bflag:$0x0] =	sbarrier.arrive $0xFFFF  }
0x17: {  	_ =	swait.ge [sflag:s19], $0x20  }
0x18: {  	[sflag:s19] =	ssyncset.done $0x0  }
0x19: {  	[sflag:s19] =	ssyncadd.s32 $0xFFFFFFE0  }
0x1a: {  	_ =	swait.ge [sflag:s19], $0x20  }
0x1b: {  	[sflag:s19] =	ssyncset.done $0x0  }
0x1c: {  	[sflag:s19] =	ssyncadd.s32 $0xFFFFFFE0  }
0x1d: {  	_ =	swait.ge [sflag:s19], $0x20  }
0x1e: {  	[sflag:s19] =	ssyncset.done $0x0  }
0x1f: {  	[sflag:s19] =	ssyncadd.s32 $0xFFFFFFE0  }
0x20: {  	_ =	swait.ge [sflag:s20], $0x1000  }
0x21: {  	[sflag:s20] =	ssyncset.done $0x0  }
0x22: {  	[sflag:s20] =	ssyncadd.s32 $0xFFFFF000  }
0x23: {  	[spmem:s2] =	stream.indirect.scatter.add.f32 [tilespmem:s3], [sflag:$0x5], $0x80, s12, s21, $0xb8;
	[tilespmem:$0x3800] =	vst v63  }
0x24: {  	_ =	swait.ge [sflag:s18], $0x1000  }
0x25: {  	[sflag:s18] =	ssyncset.done $0x0  }
0x26: {  	[sflag:s18] =	ssyncadd.s32 $0xFFFFF000  }
0x27: {  	_ =	swait.ge [sflag:s22], $0x1000  }
0x28: {  	s24 =	simm.s32 @!p1 $0x20;
	[sflag:s22] =	ssyncset.done $0x0  }
0x29: {  	s25 =	simm.s32 @!p1 $0x3080;
	s26 =	simm.s32 @!p1 $0x1000;
	[sflag:s22] =	ssyncadd.s32 $0xFFFFF000  }
0x2a: {  	[spmem:s2] =	stream.indirect.scatter.add.f32 @!p1 [tilespmem:s26], [sflag:$0x5], $0x80, s25, s24, $0xb8;
	[tilespmem:$0x3800] =	vst v63  }
0x2b: {  	s25 =	simm.s32 @!p1 $0x5  }
0x2c: {  	_ =	swait.ge @!p1 [sflag:s25], $0x1000  }
0x2d: {  	[sflag:s25] =	ssyncset.done @!p1 $0x0  }
0x2e: {  	s26 =	simm.s32 @!p1 $0x3;
	[sflag:s25] =	ssyncadd.s32 @!p1 $0xFFFFF000  }
0x2f: {  	_ =	swait.ge @!p1 [sflag:s26], $0x1000  }
0x30: {  	s28 =	simm.s32 @!p1 $0x2000;
	[sflag:s26] =	ssyncset.done @!p1 $0x0  }
0x31: {  	s25 =	simm.s32 @p1 $0x3;
	[sflag:s26] =	ssyncadd.s32 @!p1 $0xFFFFF000;
	s26 =	simm.s32 @!p1 $0x3100  }
0x32: {  	[spmem:s2] =	stream.indirect.scatter.add.f32 @!p1 [tilespmem:s28], [sflag:$0x5], $0x80, s26, s24, $0xb8;
	[tilespmem:$0x3800] =	vst v63  }
0x33: {  	_ =	swait.ge [sflag:s25], $0x1000  }
0x34: {  	s11 =	sadd.s32 $0xFFFFFFFF, s11;
	[sflag:s25] =	ssyncset.done $0x0  }
0x35: {  	p2 =	sne.s32 s11, $0x0;
	s24 =	sshll.u32 @!p0 s0, $0x6;
	[sflag:s25] =	ssyncadd.s32 $0xFFFFF000  }
0x36: {  	s24 =	sor.u32 @!p0 $0x1C05, s24;
	s25 =	sshrl.u32 @!p0 s10, $0x3;
	[bflag:$0x0] =	sbarrier.arrive $0xFFFF  }
0x37: {  	[hbm:s23], [sflag:s24] =	dma.local @!p0 [spmem:s25], $0x80  }
.Ltmp1:
0x38: {  	_ = 	snop;
	(pc) =	sbr.rel @!p2 .LBB2_4-.Ltmp1, $4  }
0x39: {  	s24 =	simm.s32 @!p0 $0x5  }
0x3a: {  	_ =	swait.ge @!p0 [sflag:s24], $0x80  }
0x3b: {  	[sflag:s24] =	ssyncset.done @!p0 $0x0  }
0x3c: {  	[sflag:s24] =	ssyncadd.s32 @!p0 $0xFFFFFF80  }
.LBB2_1:
0x3d: {  	[tilespmem:s12], [sflag:$0x4] =	stream.linear.gather [hbm4b:s4+s3], $0x20, $0x38;
	[tilespmem:$0x3800] =	vst v63  }
0x3e: {  	_ = 	snop  }
0x3f: {  	[tilespmem:s3], [sflag:$0x1] =	stream.linear.gather [hbm4b:s5+s3], $0x1000, $0x38;
	[tilespmem:$0x3800] =	vst v63  }
0x40: {  	_ = 	snop  }
0x41: {  	[tilespmem:s13], [sflag:$0x4] =	stream.linear.gather [hbm4b:s6+s3], $0x20, $0x38;
	[tilespmem:$0x3800] =	vst v63  }
0x42: {  	_ = 	snop  }
0x43: {  	[tilespmem:s14], [sflag:$0x2] =	stream.linear.gather [hbm4b:s7+s3], $0x1000, $0x38;
	[tilespmem:$0x3800] =	vst v63  }
.Ltmp2:
0x44: {  	_ = 	snop;
	(pc) =	sbr.rel @p0 .LBB2_3-.Ltmp2, $4  }
0x45: {  	_ = 	snop  }
0x46: {  	[tilespmem:s15], [sflag:$0x4] =	stream.linear.gather [hbm4b:s8+s3], $0x20, $0x38;
	[tilespmem:$0x3800] =	vst v63  }
0x47: {  	_ = 	snop  }
0x48: {  	[tilespmem:s16], [sflag:$0x3] =	stream.linear.gather [hbm4b:s9+s3], $0x1000, $0x38;
	[tilespmem:$0x3800] =	vst v63  }
0x49: {  	[tilespmem:$0x3200] =	vst v0  }
0x4a: {  	[tilespmem:$0x3210] =	vst v0  }
0x4b: {  	[tilespmem:$0x3220] =	vst v0  }
0x4c: {  	[tilespmem:$0x3230] =	vst v0  }
0x4d: {  	[tilespmem:$0x3240] =	vst v0  }
0x4e: {  	[tilespmem:$0x3250] =	vst v0  }
0x4f: {  	[tilespmem:$0x3260] =	vst v0  }
0x50: {  	[tilespmem:$0x3270] =	vst v0  }
0x51: {  	[tilespmem:$0x3280] =	vst v0  }
0x52: {  	[tilespmem:$0x3290] =	vst v0  }
0x53: {  	[tilespmem:$0x32A0] =	vst v0  }
0x54: {  	[tilespmem:$0x32B0] =	vst v0  }
0x55: {  	[tilespmem:$0x32C0] =	vst v0  }
0x56: {  	[tilespmem:$0x32D0] =	vst v0  }
0x57: {  	[tilespmem:$0x32E0] =	vst v0  }
0x58: {  	[tilespmem:$0x32F0] =	vst v0  }
0x59: {  	[tilespmem:$0x3300] =	vst v0  }
0x5a: {  	[tilespmem:$0x3310] =	vst v0  }
0x5b: {  	[tilespmem:$0x3320] =	vst v0  }
0x5c: {  	[tilespmem:$0x3330] =	vst v0  }
0x5d: {  	[tilespmem:$0x3340] =	vst v0  }
0x5e: {  	[tilespmem:$0x3350] =	vst v0  }
0x5f: {  	[tilespmem:$0x3360] =	vst v0  }
0x60: {  	[tilespmem:$0x3370] =	vst v0  }
0x61: {  	[tilespmem:$0x3380] =	vst v0  }
0x62: {  	[tilespmem:$0x3390] =	vst v0  }
0x63: {  	[tilespmem:$0x33A0] =	vst v0  }
0x64: {  	[tilespmem:$0x33B0] =	vst v0  }
0x65: {  	[tilespmem:$0x33C0] =	vst v0  }
0x66: {  	[tilespmem:$0x33D0] =	vst v0  }
0x67: {  	[tilespmem:$0x33E0] =	vst v0  }
0x68: {  	[tilespmem:$0x33F0] =	vst v0  }
0x69: {  	[tilespmem:$0x3400] =	vst v0  }
0x6a: {  	[tilespmem:$0x3410] =	vst v0  }
0x6b: {  	[tilespmem:$0x3420] =	vst v0  }
0x6c: {  	[tilespmem:$0x3430] =	vst v0  }
0x6d: {  	[tilespmem:$0x3440] =	vst v0  }
0x6e: {  	[tilespmem:$0x3450] =	vst v0  }
0x6f: {  	[tilespmem:$0x3460] =	vst v0  }
0x70: {  	[tilespmem:$0x3470] =	vst v0  }
0x71: {  	[tilespmem:$0x3480] =	vst v0  }
0x72: {  	[tilespmem:$0x3490] =	vst v0  }
0x73: {  	[tilespmem:$0x34A0] =	vst v0  }
0x74: {  	[tilespmem:$0x34B0] =	vst v0  }
0x75: {  	[tilespmem:$0x34C0] =	vst v0  }
0x76: {  	[tilespmem:$0x34D0] =	vst v0  }
0x77: {  	[tilespmem:$0x34E0] =	vst v0  }
0x78: {  	[tilespmem:$0x34F0] =	vst v0  }
0x79: {  	[tilespmem:$0x3500] =	vst v0  }
0x7a: {  	[tilespmem:$0x3510] =	vst v0  }
0x7b: {  	[tilespmem:$0x3520] =	vst v0  }
0x7c: {  	[tilespmem:$0x3530] =	vst v0  }
0x7d: {  	[tilespmem:$0x3540] =	vst v0  }
0x7e: {  	[tilespmem:$0x3550] =	vst v0  }
0x7f: {  	[tilespmem:$0x3560] =	vst v0  }
0x80: {  	[tilespmem:$0x3570] =	vst v0  }
0x81: {  	[tilespmem:$0x3580] =	vst v0  }
0x82: {  	[tilespmem:$0x3590] =	vst v0  }
0x83: {  	[tilespmem:$0x35A0] =	vst v0  }
0x84: {  	[tilespmem:$0x35B0] =	vst v0  }
0x85: {  	[tilespmem:$0x35C0] =	vst v0  }
0x86: {  	[tilespmem:$0x35D0] =	vst v0  }
0x87: {  	[tilespmem:$0x35E0] =	vst v0  }
.Ltmp3:
0x88: {  	[tilespmem:$0x35F0] =	vst v0;
	(pc) =	sbr.rel .LBB2_3-.Ltmp3, $4  }
0x89: {  	[spmem:s10] =	stream.linear.scatter [tilespmem:s17], [sflag:$0x5], $0x400, $0x38;
	[tilespmem:$0x3800] =	vst v63  }
0x8a: {  	_ =	swait.ge [sflag:s18], $0x400  }
0x8b: {  	[sflag:s18] =	ssyncset.done $0x0  }
0x8c: {  	[sflag:s18] =	ssyncadd.s32 $0xFFFFFC00  }
.LBB2_4:
0x8d: {  	_ =	sfence.sel $0x180000  }
0x8e: {  	[bflag:$0x0] =	sbarrier.arrive $0xFFFF  }
0x8f: {  	p0 =	sne.s32 s0, $0x0;
	_ =	strace $0x90000047  }
0x90: {  	s0 =	sadd.s32 @!p0 $0x100000, s1;
	[bflag:$0x2] =	sbarrier.arrive $0xFFFF  }
0x91: {  	[sflag:s0] =	ssyncadd.tile.s32 @!p0 $0x1;
	_ =	shalt  }
.Lfunc_end2:
_tile_overlayer_lowered:
.L_overlay_start_2:
0x92: {  	(tag) =	ssettag $0x2  }
0x93: {  	s0 =	rddreg [dreg:$0x0];
	s2 =	stileid.u32  }
0x94: {  	s1 =	rddreg [dreg:$0x1];
	p0 =	sne.s32 s2, $0x0  }
0x95: {  	s3 =	rddreg [dreg:$0x2];
	[bflag:$0x3] =	sbarrier.arrive $0xFFFF;
	s2 =	simm.s32 @!p0 $0x1C05  }
0x96: {  	[timem:s3], [sflag:s2] =	dma.local @!p0 [hbm:s0], s1  }
0x97: {  	s0 =	simm.s32 @!p0 $0x5  }
0x98: {  	_ =	swait.ge @!p0 [sflag:s0], s1  }
0x99: {  	s1 =	ssub.s32 @!p0 $0x0, s1;
	[sflag:s0] =	ssyncset.done @!p0 $0x0  }
0x9a: {  	[sflag:s0] =	ssyncadd.s32 @!p0 s1  }
0x9b: {  	[bflag:$0x3] =	sbarrier.arrive $0xFFFF  }
0x9c: {  	_ =	shalt  }

</sc_bundles>
